<compile_context>
chip_gen: v7x
topology: tpu7x:2x2x1
jax: 0.10.2.dev20260603
libtpu: 0.0.44.dev20260713+nightly
codegen_flags: <defaults>
</compile_context>

<pallas_src>
import functools

import jax
import jax.numpy as jnp
from jax import lax
from jax.experimental import pallas as pl
from jax.experimental.pallas import tpu as pltpu
from jax.experimental.pallas import tpu_sc as plsc

N_NODES = 10000
N_EDGES = 320000
NFEAT = 128
NHID = 64

NPAD = 10240
EPAD = 327680
CHUNK = 128
NCH_TOT = EPAD // CHUNK
NCH_DEG = NCH_TOT // 32
NCH_AGG = NCH_TOT // 16
RPT = NPAD // 16


def _sc_mesh():
    return plsc.VectorSubcoreMesh(core_axis_name="c", subcore_axis_name="s")


def _sc_degrees(src2d, dst2d, zeros1d):
    @functools.partial(
        pl.kernel,
        out_type=(
            jax.ShapeDtypeStruct((2, NPAD), jnp.float32),
            jax.ShapeDtypeStruct((2, NPAD), jnp.float32),
        ),
        mesh=_sc_mesh(),
        compiler_params=pltpu.CompilerParams(use_tc_tiling_on_sc=False),
        scratch_types=[
            pltpu.VMEM((NCH_DEG, CHUNK), jnp.int32),
            pltpu.VMEM((NCH_DEG, CHUNK), jnp.int32),
            pltpu.VMEM((CHUNK,), jnp.float32),
            pltpu.VMEM_SHARED((NPAD,), jnp.float32),
            pltpu.VMEM_SHARED((NPAD,), jnp.float32),
        ],
    )
    def deg_kernel(src_hbm, dst_hbm, z_hbm, do_hbm, di_hbm,
                   src_v, dst_v, ones_v, acc_o, acc_i):
        c = lax.axis_index("c")
        s = lax.axis_index("s")
        wid = s * 2 + c
        pltpu.sync_copy(z_hbm.at[pl.ds(s * RPT, RPT)], acc_o.at[pl.ds(s * RPT, RPT)])
        pltpu.sync_copy(z_hbm.at[pl.ds(s * RPT, RPT)], acc_i.at[pl.ds(s * RPT, RPT)])
        pltpu.sync_copy(src_hbm.at[pl.ds(wid * NCH_DEG, NCH_DEG)], src_v)
        pltpu.sync_copy(dst_hbm.at[pl.ds(wid * NCH_DEG, NCH_DEG)], dst_v)
        for k in range(CHUNK // 16):
            ones_v[pl.ds(k * 16, 16)] = jnp.ones((16,), jnp.float32)
        plsc.subcore_barrier()

        def body(j, carry):
            pltpu.sync_copy(ones_v, acc_o.at[src_v.at[j]], add=True)
            pltpu.sync_copy(ones_v, acc_i.at[dst_v.at[j]], add=True)
            return carry

        lax.fori_loop(0, NCH_DEG, body, 0)
        plsc.subcore_barrier()
        pltpu.sync_copy(acc_o.at[pl.ds(s * RPT, RPT)], do_hbm.at[c, pl.ds(s * RPT, RPT)])
        pltpu.sync_copy(acc_i.at[pl.ds(s * RPT, RPT)], di_hbm.at[c, pl.ds(s * RPT, RPT)])

    return deg_kernel(src2d, dst2d, zeros1d)


def _sc_aggregate(hcat, srcoff, dst2d, zeros2d, D):
    @functools.partial(
        pl.kernel,
        out_type=jax.ShapeDtypeStruct((2, NPAD, D), jnp.float32),
        mesh=_sc_mesh(),
        compiler_params=pltpu.CompilerParams(use_tc_tiling_on_sc=False),
        scratch_types=[
            pltpu.VMEM((NCH_AGG, CHUNK), jnp.int32),
            pltpu.VMEM((NCH_AGG, CHUNK), jnp.int32),
            pltpu.VMEM((2, CHUNK, D), jnp.float32),
            pltpu.VMEM_SHARED((NPAD, D), jnp.float32),
            pltpu.SemaphoreType.DMA,
            pltpu.SemaphoreType.DMA,
        ],
    )
    def agg_kernel(h_hbm, src_hbm, dst_hbm, z_hbm, out_hbm,
                   src_v, dst_v, rows_v, acc, sem0, sem1):
        c = lax.axis_index("c")
        s = lax.axis_index("s")
        pltpu.sync_copy(z_hbm.at[pl.ds(s * RPT, RPT)], acc.at[pl.ds(s * RPT, RPT)])
        pltpu.sync_copy(src_hbm.at[c, pl.ds(s * NCH_AGG, NCH_AGG)], src_v)
        pltpu.sync_copy(dst_hbm.at[pl.ds(s * NCH_AGG, NCH_AGG)], dst_v)
        plsc.subcore_barrier()

        pltpu.async_copy(h_hbm.at[src_v.at[0]], rows_v.at[0], sem0)

        def body(j, carry):
            @pl.when(j < NCH_AGG - 1)
            def _prefetch():
                @pl.when(j % 2 == 0)
                def _():
                    pltpu.async_copy(h_hbm.at[src_v.at[j + 1]], rows_v.at[1], sem1)

                @pl.when(j % 2 == 1)
                def _():
                    pltpu.async_copy(h_hbm.at[src_v.at[j + 1]], rows_v.at[0], sem0)

            @pl.when(j % 2 == 0)
            def _even():
                pltpu.make_async_copy(h_hbm.at[src_v.at[j]], rows_v.at[0], sem0).wait()
                pltpu.sync_copy(rows_v.at[0], acc.at[dst_v.at[j]], add=True)

            @pl.when(j % 2 == 1)
            def _odd():
                pltpu.make_async_copy(h_hbm.at[src_v.at[j]], rows_v.at[1], sem1).wait()
                pltpu.sync_copy(rows_v.at[1], acc.at[dst_v.at[j]], add=True)

            return carry

        lax.fori_loop(0, NCH_AGG, body, 0)
        plsc.subcore_barrier()
        pltpu.sync_copy(acc.at[pl.ds(s * RPT, RPT)], out_hbm.at[c, pl.ds(s * RPT, RPT)])

    return agg_kernel(hcat, srcoff, dst2d, zeros2d)


_BLK = 1024


def _tc_prep(feat_pad, degs_t):
    def body(f_ref, d_ref, h1_ref, do_ref, di_ref):
        d = d_ref[...]
        d_out = lax.rsqrt(jnp.clip(d[:, 0:1] + d[:, 1:2], 1.0, None))
        d_in = lax.rsqrt(jnp.clip(d[:, 2:3] + d[:, 3:4], 1.0, None))
        h = f_ref[...] * d_out
        h1_ref[0] = h[:, :NFEAT // 2]
        h1_ref[1] = h[:, NFEAT // 2:]
        do_ref[...] = d_out
        di_ref[...] = d_in

    grid = NPAD // _BLK
    return pl.pallas_call(
        body,
        grid=(grid,),
        in_specs=[
            pl.BlockSpec((_BLK, NFEAT), lambda i: (i, 0)),
            pl.BlockSpec((_BLK, 4), lambda i: (i, 0)),
        ],
        out_specs=[
            pl.BlockSpec((2, _BLK, NFEAT // 2), lambda i: (0, i, 0)),
            pl.BlockSpec((_BLK, 1), lambda i: (i, 0)),
            pl.BlockSpec((_BLK, 1), lambda i: (i, 0)),
        ],
        out_shape=[
            jax.ShapeDtypeStruct((2, NPAD, NFEAT // 2), jnp.float32),
            jax.ShapeDtypeStruct((NPAD, 1), jnp.float32),
            jax.ShapeDtypeStruct((NPAD, 1), jnp.float32),
        ],
    )(feat_pad, degs_t)


def _tc_mid(p, d_in, d_out, W1, b1, W2):
    def body(p0_ref, p1_ref, di_ref, do_ref, w1_ref, b1_ref, w2_ref, h2_ref):
        agg = jnp.concatenate([p0_ref[0], p1_ref[0]], axis=1) * di_ref[...]
        x = jnp.maximum(
            jnp.dot(agg, w1_ref[...], preferred_element_type=jnp.float32)
            + b1_ref[...], 0.0)
        h2 = jnp.dot(x * do_ref[...], w2_ref[...],
                     preferred_element_type=jnp.float32)
        h2_ref[0] = h2[:, :NHID // 2]
        h2_ref[1] = h2[:, NHID // 2:]

    grid = NPAD // _BLK
    return pl.pallas_call(
        body,
        grid=(grid,),
        in_specs=[
            pl.BlockSpec((1, _BLK, NFEAT // 2), lambda i: (0, i, 0)),
            pl.BlockSpec((1, _BLK, NFEAT // 2), lambda i: (1, i, 0)),
            pl.BlockSpec((_BLK, 1), lambda i: (i, 0)),
            pl.BlockSpec((_BLK, 1), lambda i: (i, 0)),
            pl.BlockSpec((NFEAT, 2 * NHID), lambda i: (0, 0)),
            pl.BlockSpec((1, 2 * NHID), lambda i: (0, 0)),
            pl.BlockSpec((2 * NHID, NHID), lambda i: (0, 0)),
        ],
        out_specs=pl.BlockSpec((2, _BLK, NHID // 2), lambda i: (0, i, 0)),
        out_shape=jax.ShapeDtypeStruct((2, NPAD, NHID // 2), jnp.float32),
    )(p, p, d_in, d_out, W1, b1, W2)


def _tc_final(q, d_in, b2):
    def body(q0_ref, q1_ref, di_ref, b2_ref, o_ref):
        z = (jnp.concatenate([q0_ref[0], q1_ref[0]], axis=1) * di_ref[...]
             + b2_ref[...])
        m = jnp.max(z, axis=1, keepdims=True)
        e = jnp.exp(z - m)
        lse = jnp.log(jnp.sum(e, axis=1, keepdims=True))
        o_ref[...] = z - m - lse

    grid = NPAD // _BLK
    return pl.pallas_call(
        body,
        grid=(grid,),
        in_specs=[
            pl.BlockSpec((1, _BLK, NHID // 2), lambda i: (0, i, 0)),
            pl.BlockSpec((1, _BLK, NHID // 2), lambda i: (1, i, 0)),
            pl.BlockSpec((_BLK, 1), lambda i: (i, 0)),
            pl.BlockSpec((1, NHID), lambda i: (0, 0)),
        ],
        out_specs=pl.BlockSpec((_BLK, NHID), lambda i: (i, 0)),
        out_shape=jax.ShapeDtypeStruct((NPAD, NHID), jnp.float32),
    )(q, q, d_in, b2)


def kernel(feat, edge_index, W1, b1, W2, b2):
    n_junk = NPAD - N_NODES
    n_pad_e = EPAD - N_EDGES
    i = jnp.arange(n_pad_e, dtype=jnp.int32)
    pad_src = N_NODES + (i % n_junk)
    pad_dst = N_NODES + ((i + n_junk // 2) % n_junk)
    src = jnp.concatenate([edge_index[0].astype(jnp.int32), pad_src])
    dst2d = jnp.concatenate([edge_index[1].astype(jnp.int32), pad_dst]).reshape(
        NCH_TOT, CHUNK)
    src2d = src.reshape(NCH_TOT, CHUNK)
    srcoff = jnp.stack([src2d, src2d + NPAD])

    feat_pad = jnp.zeros((NPAD, NFEAT), jnp.float32).at[:N_NODES].set(feat)
    zeros1d = jnp.zeros((NPAD,), jnp.float32)
    zeros64 = jnp.zeros((NPAD, NFEAT // 2), jnp.float32)
    zeros32 = jnp.zeros((NPAD, NHID // 2), jnp.float32)

    deg_o, deg_i = _sc_degrees(src2d, dst2d, zeros1d)
    degs_t = jnp.concatenate([deg_o, deg_i], axis=0).T

    h1cat, d_out, d_in = _tc_prep(feat_pad, degs_t)
    p = _sc_aggregate(h1cat.reshape(2 * NPAD, NFEAT // 2), srcoff, dst2d,
                      zeros64, NFEAT // 2)
    h2cat = _tc_mid(p, d_in, d_out, W1, b1.reshape(1, -1), W2)
    q = _sc_aggregate(h2cat.reshape(2 * NPAD, NHID // 2), srcoff, dst2d,
                      zeros32, NHID // 2)
    out = _tc_final(q, d_in, b2.reshape(1, -1))
    return out[:N_NODES]

# --- scband reference (transcript-rebuilt; emitter-appended) ---
"""Pipeline reference for scband-gcn-9234179686680 (READ-ONLY COPY).

The authoritative reference and input builder live on the scoring server;
editing this copy changes nothing except your own understanding.
"""

import jax, jax.numpy as jnp
import numpy as np

N_NODES = 10000
N_EDGES = 320000
NFEAT = 128
NHID = 64


def _gcn_layer(feat, src, dst, W, b):
    # DGL GraphConv with norm='both', allow_zero_in_degree=True
    n = feat.shape[0]
    deg_out = jnp.clip(jnp.bincount(src, length=n), 1, None).astype(feat.dtype)
    deg_in = jnp.clip(jnp.bincount(dst, length=n), 1, None).astype(feat.dtype)
    h = feat * (deg_out ** -0.5)[:, None]
    # DGL applies the weight before aggregation when in_feats > out_feats
    if W.shape[0] > W.shape[1]:
        h = h @ W
    agg = jnp.zeros((n, h.shape[1]), dtype=h.dtype).at[dst].add(h[src])
    agg = agg * (deg_in ** -0.5)[:, None]
    if W.shape[0] <= W.shape[1]:
        agg = agg @ W
    return agg + b


def setup_inputs(seed: int = 0):
    key = jax.random.key(seed)
    k1, k2, k3, k4 = jax.random.split(key, 4)
    feat = jax.random.normal(k1, (N_NODES, NFEAT), dtype=jnp.float32)
    edge_index = jax.random.randint(k2, (2, N_EDGES), 0, N_NODES)
    W1 = jax.random.normal(k3, (NFEAT, 2 * NHID), dtype=jnp.float32) * (1.0 / np.sqrt(NFEAT))
    b1 = jnp.zeros((2 * NHID,), dtype=jnp.float32)
    W2 = jax.random.normal(k4, (2 * NHID, NHID), dtype=jnp.float32) * (1.0 / np.sqrt(2 * NHID))
    b2 = jnp.zeros((NHID,), dtype=jnp.float32)
    return {"feat": feat, "edge_index": edge_index, "W1": W1, "b1": b1, "W2": W2, "b2": b2}


def reference(feat, edge_index, W1, b1, W2, b2):
    src = edge_index[0]
    dst = edge_index[1]
    x = jax.nn.relu(_gcn_layer(feat, src, dst, W1, b1))
    # F.dropout with p=0.0 (and/or eval mode) is the identity
    x = _gcn_layer(x, src, dst, W2, b2)
    return jax.nn.log_softmax(x, axis=1)

if __name__ == "__main__":
    import jax
    _d = setup_inputs()
    print(jax.jit(kernel)(*tuple(_d.values())))

</pallas_src>

<mosaic_0001>
#map = affine_map<(d0, d1) -> (0, 0)>
#map1 = affine_map<(d0, d1) -> (0, 0, 0)>
module attributes {stable_mosaic.version = 14 : i64} {
  func.func @agg_kernel(%arg0: i32, %arg1: i32, %arg2: memref<20480x32xf32, #tpu.memory_space<hbm>>, %arg3: memref<2x2560x128xi32, #tpu.memory_space<hbm>>, %arg4: memref<2560x128xi32, #tpu.memory_space<hbm>>, %arg5: memref<10240x32xf32, #tpu.memory_space<hbm>>, %arg6: memref<2x10240x32xf32, #tpu.memory_space<hbm>>, %arg7: memref<160x128xi32, #tpu.memory_space<vmem>>, %arg8: memref<160x128xi32, #tpu.memory_space<vmem>>, %arg9: memref<2x128x32xf32, #tpu.memory_space<vmem>>, %arg10: memref<10240x32xf32, #tpu.memory_space<vmem_shared>>, %arg11: memref<!tpu.dma_semaphore, #tpu.memory_space<semaphore_mem>>, %arg12: memref<!tpu.dma_semaphore, #tpu.memory_space<semaphore_mem>>) attributes {dimension_semantics = [#tpu.dimension_semantics<core_parallel>, #tpu.dimension_semantics<subcore_parallel>], iteration_bounds = array<i64: 2, 16>, scalar_prefetch = 0 : i64, scratch_operands = 6 : i64, tpu.core_type = #tpu.core_type<sc_vector_subcore>, window_params = [{transform_indices = #map}, {transform_indices = #map1}, {transform_indices = #map}, {transform_indices = #map}, {transform_indices = #map1}]} {
    %mul3A = arith.constant 640 : i32
    %mul3A_0 = arith.muli %arg1, %mul3A : i32
    %mul3A_1 = arith.constant 640 : i32
    %mul3A_2 = arith.muli %arg1, %mul3A_1 : i32
    "tpu.region"() ({
      %run_scoped3A = tpu.sem_alloc : memref<!tpu.dma_semaphore, #tpu.memory_space<semaphore_mem>>
      %dma_start3A_28 = arith.constant 0 : i32
      %dma_start3A_29 = tpu.memref_slice %arg10[%mul3A_2, %dma_start3A_28] : memref<10240x32xf32, #tpu.memory_space<vmem_shared>> -> memref<640x32xf32, #tpu.memory_space<vmem_shared>>
      %dma_start3A_30 = arith.constant 0 : i32
      %dma_start3A_31 = tpu.memref_slice %arg5[%mul3A_0, %dma_start3A_30] : memref<10240x32xf32, #tpu.memory_space<hbm>> -> memref<640x32xf32, #tpu.memory_space<hbm>>
      tpu.enqueue_dma source(%dma_start3A_31 : memref<640x32xf32, #tpu.memory_space<hbm>>) target(%dma_start3A_29 : memref<640x32xf32, #tpu.memory_space<vmem_shared>>) target_semaphore(%run_scoped3A : memref<!tpu.dma_semaphore, #tpu.memory_space<semaphore_mem>>)
      %dma_wait3A = arith.constant 0 : i32
      %dma_wait3A_32 = tpu.memref_slice %arg10[%mul3A_2, %dma_wait3A] : memref<10240x32xf32, #tpu.memory_space<vmem_shared>> -> memref<640x32xf32, #tpu.memory_space<vmem_shared>>
      %dma_wait3A_33 = arith.constant 0 : i32
      %dma_wait3A_34 = tpu.memref_slice %arg5[%mul3A_0, %dma_wait3A_33] : memref<10240x32xf32, #tpu.memory_space<hbm>> -> memref<640x32xf32, #tpu.memory_space<hbm>>
      tpu.wait_dma2 semaphore(%run_scoped3A : memref<!tpu.dma_semaphore, #tpu.memory_space<semaphore_mem>>) src(%dma_wait3A_34 : memref<640x32xf32, #tpu.memory_space<hbm>>) dst(%dma_wait3A_32 : memref<640x32xf32, #tpu.memory_space<vmem_shared>>)
      tpu.yield
    }) : () -> ()
    %mul3A_3 = arith.constant 160 : i32
    %mul3A_4 = arith.muli %arg1, %mul3A_3 : i32
    "tpu.region"() ({
      %run_scoped3A = tpu.sem_alloc : memref<!tpu.dma_semaphore, #tpu.memory_space<semaphore_mem>>
      %dma_start3A_28 = arith.constant 0 : i32
      %dma_start3A_29 = tpu.memref_slice %arg3[%arg0, %mul3A_4, %dma_start3A_28] : memref<2x2560x128xi32, #tpu.memory_space<hbm>> -> memref<1x160x128xi32, #tpu.memory_space<hbm>>
      %dma_start3A_30 = tpu.memref_squeeze %dma_start3A_29 : memref<1x160x128xi32, #tpu.memory_space<hbm>> -> memref<160x128xi32, #tpu.memory_space<hbm>>
      %dma_start3A_31 = arith.constant 0 : i32
      %dma_start3A_32 = tpu.memref_slice %arg3[%arg0, %mul3A_4, %dma_start3A_31] : memref<2x2560x128xi32, #tpu.memory_space<hbm>> -> memref<1x160x128xi32, #tpu.memory_space<hbm>>
      %dma_start3A_33 = tpu.memref_squeeze %dma_start3A_32 : memref<1x160x128xi32, #tpu.memory_space<hbm>> -> memref<160x128xi32, #tpu.memory_space<hbm>>
      tpu.enqueue_dma source(%dma_start3A_33 : memref<160x128xi32, #tpu.memory_space<hbm>>) target(%arg7 : memref<160x128xi32, #tpu.memory_space<vmem>>) target_semaphore(%run_scoped3A : memref<!tpu.dma_semaphore, #tpu.memory_space<semaphore_mem>>)
      %dma_wait3A = arith.constant 0 : i32
      %dma_wait3A_34 = tpu.memref_slice %arg3[%arg0, %mul3A_4, %dma_wait3A] : memref<2x2560x128xi32, #tpu.memory_space<hbm>> -> memref<1x160x128xi32, #tpu.memory_space<hbm>>
      %dma_wait3A_35 = tpu.memref_squeeze %dma_wait3A_34 : memref<1x160x128xi32, #tpu.memory_space<hbm>> -> memref<160x128xi32, #tpu.memory_space<hbm>>
      %dma_wait3A_36 = arith.constant 0 : i32
      %dma_wait3A_37 = tpu.memref_slice %arg3[%arg0, %mul3A_4, %dma_wait3A_36] : memref<2x2560x128xi32, #tpu.memory_space<hbm>> -> memref<1x160x128xi32, #tpu.memory_space<hbm>>
      %dma_wait3A_38 = tpu.memref_squeeze %dma_wait3A_37 : memref<1x160x128xi32, #tpu.memory_space<hbm>> -> memref<160x128xi32, #tpu.memory_space<hbm>>
      tpu.wait_dma2 semaphore(%run_scoped3A : memref<!tpu.dma_semaphore, #tpu.memory_space<semaphore_mem>>) src(%dma_wait3A_38 : memref<160x128xi32, #tpu.memory_space<hbm>>) dst(%arg7 : memref<160x128xi32, #tpu.memory_space<vmem>>)
      tpu.yield
    }) : () -> ()
    %mul3A_5 = arith.constant 160 : i32
    %mul3A_6 = arith.muli %arg1, %mul3A_5 : i32
    "tpu.region"() ({
      %run_scoped3A = tpu.sem_alloc : memref<!tpu.dma_semaphore, #tpu.memory_space<semaphore_mem>>
      %dma_start3A_28 = arith.constant 0 : i32
      %dma_start3A_29 = tpu.memref_slice %arg4[%mul3A_6, %dma_start3A_28] : memref<2560x128xi32, #tpu.memory_space<hbm>> -> memref<160x128xi32, #tpu.memory_space<hbm>>
      %dma_start3A_30 = arith.constant 0 : i32
      %dma_start3A_31 = tpu.memref_slice %arg4[%mul3A_6, %dma_start3A_30] : memref<2560x128xi32, #tpu.memory_space<hbm>> -> memref<160x128xi32, #tpu.memory_space<hbm>>
      tpu.enqueue_dma source(%dma_start3A_31 : memref<160x128xi32, #tpu.memory_space<hbm>>) target(%arg8 : memref<160x128xi32, #tpu.memory_space<vmem>>) target_semaphore(%run_scoped3A : memref<!tpu.dma_semaphore, #tpu.memory_space<semaphore_mem>>)
      %dma_wait3A = arith.constant 0 : i32
      %dma_wait3A_32 = tpu.memref_slice %arg4[%mul3A_6, %dma_wait3A] : memref<2560x128xi32, #tpu.memory_space<hbm>> -> memref<160x128xi32, #tpu.memory_space<hbm>>
      %dma_wait3A_33 = arith.constant 0 : i32
      %dma_wait3A_34 = tpu.memref_slice %arg4[%mul3A_6, %dma_wait3A_33] : memref<2560x128xi32, #tpu.memory_space<hbm>> -> memref<160x128xi32, #tpu.memory_space<hbm>>
      tpu.wait_dma2 semaphore(%run_scoped3A : memref<!tpu.dma_semaphore, #tpu.memory_space<semaphore_mem>>) src(%dma_wait3A_34 : memref<160x128xi32, #tpu.memory_space<hbm>>) dst(%arg8 : memref<160x128xi32, #tpu.memory_space<vmem>>)
      tpu.yield
    }) : () -> ()
    %barrier3A = arith.constant 0 : index
    tpu.barrier barrier_id(%barrier3A)
    %dma_start3A = arith.constant 0 : i32
    %dma_start3A_7 = arith.constant 0 : i32
    %dma_start3A_8 = arith.constant 0 : i32
    %dma_start3A_9 = arith.constant 0 : i32
    %dma_start3A_10 = tpu.memref_slice %arg9[%dma_start3A_7, %dma_start3A_8, %dma_start3A_9] : memref<2x128x32xf32, #tpu.memory_space<vmem>> -> memref<1x128x32xf32, #tpu.memory_space<vmem>>
    %dma_start3A_11 = tpu.memref_squeeze %dma_start3A_10 : memref<1x128x32xf32, #tpu.memory_space<vmem>> -> memref<128x32xf32, #tpu.memory_space<vmem>>
    %dma_start3A_12 = arith.constant 0 : i32
    %dma_start3A_13 = tpu.memref_slice %arg7[%dma_start3A, %dma_start3A_12] : memref<160x128xi32, #tpu.memory_space<vmem>> -> memref<1x128xi32, #tpu.memory_space<vmem>>
    %dma_start3A_14 = tpu.memref_squeeze %dma_start3A_13 : memref<1x128xi32, #tpu.memory_space<vmem>> -> memref<128xi32, #tpu.memory_space<vmem>>
    %dma_start3A_15 = arith.constant 0 : i32
    %dma_start3A_16 = arith.constant 0 : i32
    %dma_start3A_17 = tpu.memref_slice %arg2[%dma_start3A_15, %dma_start3A_16] : memref<20480x32xf32, #tpu.memory_space<hbm>> -> memref<20480x32xf32, #tpu.memory_space<hbm>>
    tpu.enqueue_indirect_dma source(%dma_start3A_17 : memref<20480x32xf32, #tpu.memory_space<hbm>>) target(%dma_start3A_11 : memref<128x32xf32, #tpu.memory_space<vmem>>) offsets(%dma_start3A_14 : memref<128xi32, #tpu.memory_space<vmem>>) semaphore(%arg11 : memref<!tpu.dma_semaphore, #tpu.memory_space<semaphore_mem>>)
    %scan3A = arith.constant 0 : i32
    %scan3A_18 = arith.constant 0 : i32
    %scan3A_19 = arith.constant 160 : i32
    %scan3A_20 = arith.addi %scan3A_18, %scan3A_19 : i32
    %scan3A_21 = arith.constant 1 : i32
    scf.for %scan3A_28 = %scan3A_18 to %scan3A_20 step %scan3A_21  : i32 {
      %lt3A = arith.constant 159 : i32
      %lt3A_29 = arith.cmpi slt, %scan3A_28, %lt3A : i32
      %convert_element_type3A = arith.extui %lt3A_29 : i1 to i32
      %cond3A = arith.constant 0 : i32
      %cond3A_30 = arith.cmpi ne, %convert_element_type3A, %cond3A : i32
      scf.if %cond3A_30 {
        %jit3A_66 = arith.constant 2 : i32
        %eq3A_67 = arith.constant 0 : i32
        %eq3A_68 = arith.cmpi eq, %jit3A_66, %eq3A_67 : i32
        %jit3A_69 = arith.constant 1 : i32
        %select_n3A_70 = arith.select %eq3A_68, %jit3A_69, %jit3A_66 : i32
        %rem3A_71 = arith.remsi %scan3A_28, %select_n3A_70 : i32
        %ne3A_72 = arith.constant 0 : i32
        %ne3A_73 = arith.cmpi ne, %rem3A_71, %ne3A_72 : i32
        %lt3A_74 = arith.constant 0 : i32
        %lt3A_75 = arith.cmpi slt, %rem3A_71, %lt3A_74 : i32
        %lt3A_76 = arith.constant 0 : i32
        %lt3A_77 = arith.cmpi slt, %select_n3A_70, %lt3A_76 : i32
        %ne3A_78 = arith.xori %lt3A_75, %lt3A_77 : i1
        %and3A_79 = arith.andi %ne3A_78, %ne3A_73 : i1
        %add3A_80 = arith.addi %rem3A_71, %select_n3A_70 : i32
        %select_n3A_81 = arith.select %and3A_79, %add3A_80, %rem3A_71 : i32
        %eq3A_82 = arith.constant 0 : i32
        %eq3A_83 = arith.cmpi eq, %select_n3A_81, %eq3A_82 : i32
        %convert_element_type3A_84 = arith.extui %eq3A_83 : i1 to i32
        %cond3A_85 = arith.constant 0 : i32
        %cond3A_86 = arith.cmpi ne, %convert_element_type3A_84, %cond3A_85 : i32
        scf.if %cond3A_86 {
          %add3A_108 = arith.constant 1 : i32
          %add3A_109 = arith.addi %scan3A_28, %add3A_108 : i32
          %dma_start3A_110 = arith.constant 1 : i32
          %dma_start3A_111 = arith.constant 0 : i32
          %dma_start3A_112 = arith.constant 0 : i32
          %dma_start3A_113 = tpu.memref_slice %arg9[%dma_start3A_110, %dma_start3A_111, %dma_start3A_112] : memref<2x128x32xf32, #tpu.memory_space<vmem>> -> memref<1x128x32xf32, #tpu.memory_space<vmem>>
          %dma_start3A_114 = tpu.memref_squeeze %dma_start3A_113 : memref<1x128x32xf32, #tpu.memory_space<vmem>> -> memref<128x32xf32, #tpu.memory_space<vmem>>
          %dma_start3A_115 = arith.constant 0 : i32
          %dma_start3A_116 = tpu.memref_slice %arg7[%add3A_109, %dma_start3A_115] : memref<160x128xi32, #tpu.memory_space<vmem>> -> memref<1x128xi32, #tpu.memory_space<vmem>>
          %dma_start3A_117 = tpu.memref_squeeze %dma_start3A_116 : memref<1x128xi32, #tpu.memory_space<vmem>> -> memref<128xi32, #tpu.memory_space<vmem>>
          %dma_start3A_118 = arith.constant 0 : i32
          %dma_start3A_119 = arith.constant 0 : i32
          %dma_start3A_120 = tpu.memref_slice %arg2[%dma_start3A_118, %dma_start3A_119] : memref<20480x32xf32, #tpu.memory_space<hbm>> -> memref<20480x32xf32, #tpu.memory_space<hbm>>
          tpu.enqueue_indirect_dma source(%dma_start3A_120 : memref<20480x32xf32, #tpu.memory_space<hbm>>) target(%dma_start3A_114 : memref<128x32xf32, #tpu.memory_space<vmem>>) offsets(%dma_start3A_117 : memref<128xi32, #tpu.memory_space<vmem>>) semaphore(%arg12 : memref<!tpu.dma_semaphore, #tpu.memory_space<semaphore_mem>>)
        } else {
        }
        %jit3A_87 = arith.constant 2 : i32
        %eq3A_88 = arith.constant 0 : i32
        %eq3A_89 = arith.cmpi eq, %jit3A_87, %eq3A_88 : i32
        %jit3A_90 = arith.constant 1 : i32
        %select_n3A_91 = arith.select %eq3A_89, %jit3A_90, %jit3A_87 : i32
        %rem3A_92 = arith.remsi %scan3A_28, %select_n3A_91 : i32
        %ne3A_93 = arith.constant 0 : i32
        %ne3A_94 = arith.cmpi ne, %rem3A_92, %ne3A_93 : i32
        %lt3A_95 = arith.constant 0 : i32
        %lt3A_96 = arith.cmpi slt, %rem3A_92, %lt3A_95 : i32
        %lt3A_97 = arith.constant 0 : i32
        %lt3A_98 = arith.cmpi slt, %select_n3A_91, %lt3A_97 : i32
        %ne3A_99 = arith.xori %lt3A_96, %lt3A_98 : i1
        %and3A_100 = arith.andi %ne3A_99, %ne3A_94 : i1
        %add3A_101 = arith.addi %rem3A_92, %select_n3A_91 : i32
        %select_n3A_102 = arith.select %and3A_100, %add3A_101, %rem3A_92 : i32
        %eq3A_103 = arith.constant 1 : i32
        %eq3A_104 = arith.cmpi eq, %select_n3A_102, %eq3A_103 : i32
        %convert_element_type3A_105 = arith.extui %eq3A_104 : i1 to i32
        %cond3A_106 = arith.constant 0 : i32
        %cond3A_107 = arith.cmpi ne, %convert_element_type3A_105, %cond3A_106 : i32
        scf.if %cond3A_107 {
          %add3A_108 = arith.constant 1 : i32
          %add3A_109 = arith.addi %scan3A_28, %add3A_108 : i32
          %dma_start3A_110 = arith.constant 0 : i32
          %dma_start3A_111 = arith.constant 0 : i32
          %dma_start3A_112 = arith.constant 0 : i32
          %dma_start3A_113 = tpu.memref_slice %arg9[%dma_start3A_110, %dma_start3A_111, %dma_start3A_112] : memref<2x128x32xf32, #tpu.memory_space<vmem>> -> memref<1x128x32xf32, #tpu.memory_space<vmem>>
          %dma_start3A_114 = tpu.memref_squeeze %dma_start3A_113 : memref<1x128x32xf32, #tpu.memory_space<vmem>> -> memref<128x32xf32, #tpu.memory_space<vmem>>
          %dma_start3A_115 = arith.constant 0 : i32
          %dma_start3A_116 = tpu.memref_slice %arg7[%add3A_109, %dma_start3A_115] : memref<160x128xi32, #tpu.memory_space<vmem>> -> memref<1x128xi32, #tpu.memory_space<vmem>>
          %dma_start3A_117 = tpu.memref_squeeze %dma_start3A_116 : memref<1x128xi32, #tpu.memory_space<vmem>> -> memref<128xi32, #tpu.memory_space<vmem>>
          %dma_start3A_118 = arith.constant 0 : i32
          %dma_start3A_119 = arith.constant 0 : i32
          %dma_start3A_120 = tpu.memref_slice %arg2[%dma_start3A_118, %dma_start3A_119] : memref<20480x32xf32, #tpu.memory_space<hbm>> -> memref<20480x32xf32, #tpu.memory_space<hbm>>
          tpu.enqueue_indirect_dma source(%dma_start3A_120 : memref<20480x32xf32, #tpu.memory_space<hbm>>) target(%dma_start3A_114 : memref<128x32xf32, #tpu.memory_space<vmem>>) offsets(%dma_start3A_117 : memref<128xi32, #tpu.memory_space<vmem>>) semaphore(%arg11 : memref<!tpu.dma_semaphore, #tpu.memory_space<semaphore_mem>>)
        } else {
        }
      } else {
      }
      %jit3A = arith.constant 2 : i32
      %eq3A = arith.constant 0 : i32
      %eq3A_31 = arith.cmpi eq, %jit3A, %eq3A : i32
      %jit3A_32 = arith.constant 1 : i32
      %select_n3A = arith.select %eq3A_31, %jit3A_32, %jit3A : i32
      %rem3A = arith.remsi %scan3A_28, %select_n3A : i32
      %ne3A = arith.constant 0 : i32
      %ne3A_33 = arith.cmpi ne, %rem3A, %ne3A : i32
      %lt3A_34 = arith.constant 0 : i32
      %lt3A_35 = arith.cmpi slt, %rem3A, %lt3A_34 : i32
      %lt3A_36 = arith.constant 0 : i32
      %lt3A_37 = arith.cmpi slt, %select_n3A, %lt3A_36 : i32
      %ne3A_38 = arith.xori %lt3A_35, %lt3A_37 : i1
      %and3A = arith.andi %ne3A_38, %ne3A_33 : i1
      %add3A = arith.addi %rem3A, %select_n3A : i32
      %select_n3A_39 = arith.select %and3A, %add3A, %rem3A : i32
      %eq3A_40 = arith.constant 0 : i32
      %eq3A_41 = arith.cmpi eq, %select_n3A_39, %eq3A_40 : i32
      %convert_element_type3A_42 = arith.extui %eq3A_41 : i1 to i32
      %cond3A_43 = arith.constant 0 : i32
      %cond3A_44 = arith.cmpi ne, %convert_element_type3A_42, %cond3A_43 : i32
      scf.if %cond3A_44 {
        %dma_wait3A = arith.constant 0 : i32
        %dma_wait3A_66 = arith.constant 0 : i32
        %dma_wait3A_67 = arith.constant 0 : i32
        %dma_wait3A_68 = tpu.memref_slice %arg9[%dma_wait3A, %dma_wait3A_66, %dma_wait3A_67] : memref<2x128x32xf32, #tpu.memory_space<vmem>> -> memref<1x128x32xf32, #tpu.memory_space<vmem>>
        %dma_wait3A_69 = tpu.memref_squeeze %dma_wait3A_68 : memref<1x128x32xf32, #tpu.memory_space<vmem>> -> memref<128x32xf32, #tpu.memory_space<vmem>>
        %dma_wait3A_70 = arith.constant 0 : i32
        %dma_wait3A_71 = tpu.memref_slice %arg7[%scan3A_28, %dma_wait3A_70] : memref<160x128xi32, #tpu.memory_space<vmem>> -> memref<1x128xi32, #tpu.memory_space<vmem>>
        %dma_wait3A_72 = tpu.memref_squeeze %dma_wait3A_71 : memref<1x128xi32, #tpu.memory_space<vmem>> -> memref<128xi32, #tpu.memory_space<vmem>>
        %dma_wait3A_73 = arith.constant 0 : i32
        %dma_wait3A_74 = arith.constant 0 : i32
        %dma_wait3A_75 = tpu.memref_slice %arg2[%dma_wait3A_73, %dma_wait3A_74] : memref<20480x32xf32, #tpu.memory_space<hbm>> -> memref<20480x32xf32, #tpu.memory_space<hbm>>
        tpu.wait_indirect_dma semaphore(%arg11 : memref<!tpu.dma_semaphore, #tpu.memory_space<semaphore_mem>>) src(%dma_wait3A_75 : memref<20480x32xf32, #tpu.memory_space<hbm>>) dst(%dma_wait3A_69 : memref<128x32xf32, #tpu.memory_space<vmem>>)
        %run_scoped3A = arith.constant 0 : i32
        "tpu.region"() ({
          %run_scoped3A_76 = tpu.sem_alloc : memref<!tpu.dma_semaphore, #tpu.memory_space<semaphore_mem>>
          %dma_start3A_77 = arith.constant 0 : i32
          %dma_start3A_78 = arith.constant 0 : i32
          %dma_start3A_79 = tpu.memref_slice %arg9[%run_scoped3A, %dma_start3A_77, %dma_start3A_78] : memref<2x128x32xf32, #tpu.memory_space<vmem>> -> memref<1x128x32xf32, #tpu.memory_space<vmem>>
          %dma_start3A_80 = tpu.memref_squeeze %dma_start3A_79 : memref<1x128x32xf32, #tpu.memory_space<vmem>> -> memref<128x32xf32, #tpu.memory_space<vmem>>
          %dma_start3A_81 = arith.constant 0 : i32
          %dma_start3A_82 = tpu.memref_slice %arg8[%scan3A_28, %dma_start3A_81] : memref<160x128xi32, #tpu.memory_space<vmem>> -> memref<1x128xi32, #tpu.memory_space<vmem>>
          %dma_start3A_83 = tpu.memref_squeeze %dma_start3A_82 : memref<1x128xi32, #tpu.memory_space<vmem>> -> memref<128xi32, #tpu.memory_space<vmem>>
          %dma_start3A_84 = arith.constant 0 : i32
          %dma_start3A_85 = arith.constant 0 : i32
          %dma_start3A_86 = tpu.memref_slice %arg10[%dma_start3A_84, %dma_start3A_85] : memref<10240x32xf32, #tpu.memory_space<vmem_shared>> -> memref<10240x32xf32, #tpu.memory_space<vmem_shared>>
          tpu.enqueue_indirect_dma source(%dma_start3A_80 : memref<128x32xf32, #tpu.memory_space<vmem>>) target(%dma_start3A_86 : memref<10240x32xf32, #tpu.memory_space<vmem_shared>>) offsets(%dma_start3A_83 : memref<128xi32, #tpu.memory_space<vmem>>) semaphore(%run_scoped3A_76 : memref<!tpu.dma_semaphore, #tpu.memory_space<semaphore_mem>>) {add = true}
          %dma_wait3A_87 = arith.constant 0 : i32
          %dma_wait3A_88 = arith.constant 0 : i32
          %dma_wait3A_89 = tpu.memref_slice %arg9[%run_scoped3A, %dma_wait3A_87, %dma_wait3A_88] : memref<2x128x32xf32, #tpu.memory_space<vmem>> -> memref<1x128x32xf32, #tpu.memory_space<vmem>>
          %dma_wait3A_90 = tpu.memref_squeeze %dma_wait3A_89 : memref<1x128x32xf32, #tpu.memory_space<vmem>> -> memref<128x32xf32, #tpu.memory_space<vmem>>
          %dma_wait3A_91 = arith.constant 0 : i32
          %dma_wait3A_92 = tpu.memref_slice %arg8[%scan3A_28, %dma_wait3A_91] : memref<160x128xi32, #tpu.memory_space<vmem>> -> memref<1x128xi32, #tpu.memory_space<vmem>>
          %dma_wait3A_93 = tpu.memref_squeeze %dma_wait3A_92 : memref<1x128xi32, #tpu.memory_space<vmem>> -> memref<128xi32, #tpu.memory_space<vmem>>
          %dma_wait3A_94 = arith.constant 0 : i32
          %dma_wait3A_95 = arith.constant 0 : i32
          %dma_wait3A_96 = tpu.memref_slice %arg10[%dma_wait3A_94, %dma_wait3A_95] : memref<10240x32xf32, #tpu.memory_space<vmem_shared>> -> memref<10240x32xf32, #tpu.memory_space<vmem_shared>>
          tpu.wait_indirect_dma semaphore(%run_scoped3A_76 : memref<!tpu.dma_semaphore, #tpu.memory_space<semaphore_mem>>) src(%dma_wait3A_90 : memref<128x32xf32, #tpu.memory_space<vmem>>) dst(%dma_wait3A_96 : memref<10240x32xf32, #tpu.memory_space<vmem_shared>>)
          tpu.yield
        }) : () -> ()
      } else {
      }
      %jit3A_45 = arith.constant 2 : i32
      %eq3A_46 = arith.constant 0 : i32
      %eq3A_47 = arith.cmpi eq, %jit3A_45, %eq3A_46 : i32
      %jit3A_48 = arith.constant 1 : i32
      %select_n3A_49 = arith.select %eq3A_47, %jit3A_48, %jit3A_45 : i32
      %rem3A_50 = arith.remsi %scan3A_28, %select_n3A_49 : i32
      %ne3A_51 = arith.constant 0 : i32
      %ne3A_52 = arith.cmpi ne, %rem3A_50, %ne3A_51 : i32
      %lt3A_53 = arith.constant 0 : i32
      %lt3A_54 = arith.cmpi slt, %rem3A_50, %lt3A_53 : i32
      %lt3A_55 = arith.constant 0 : i32
      %lt3A_56 = arith.cmpi slt, %select_n3A_49, %lt3A_55 : i32
      %ne3A_57 = arith.xori %lt3A_54, %lt3A_56 : i1
      %and3A_58 = arith.andi %ne3A_57, %ne3A_52 : i1
      %add3A_59 = arith.addi %rem3A_50, %select_n3A_49 : i32
      %select_n3A_60 = arith.select %and3A_58, %add3A_59, %rem3A_50 : i32
      %eq3A_61 = arith.constant 1 : i32
      %eq3A_62 = arith.cmpi eq, %select_n3A_60, %eq3A_61 : i32
      %convert_element_type3A_63 = arith.extui %eq3A_62 : i1 to i32
      %cond3A_64 = arith.constant 0 : i32
      %cond3A_65 = arith.cmpi ne, %convert_element_type3A_63, %cond3A_64 : i32
      scf.if %cond3A_65 {
        %dma_wait3A = arith.constant 1 : i32
        %dma_wait3A_66 = arith.constant 0 : i32
        %dma_wait3A_67 = arith.constant 0 : i32
        %dma_wait3A_68 = tpu.memref_slice %arg9[%dma_wait3A, %dma_wait3A_66, %dma_wait3A_67] : memref<2x128x32xf32, #tpu.memory_space<vmem>> -> memref<1x128x32xf32, #tpu.memory_space<vmem>>
        %dma_wait3A_69 = tpu.memref_squeeze %dma_wait3A_68 : memref<1x128x32xf32, #tpu.memory_space<vmem>> -> memref<128x32xf32, #tpu.memory_space<vmem>>
        %dma_wait3A_70 = arith.constant 0 : i32
        %dma_wait3A_71 = tpu.memref_slice %arg7[%scan3A_28, %dma_wait3A_70] : memref<160x128xi32, #tpu.memory_space<vmem>> -> memref<1x128xi32, #tpu.memory_space<vmem>>
        %dma_wait3A_72 = tpu.memref_squeeze %dma_wait3A_71 : memref<1x128xi32, #tpu.memory_space<vmem>> -> memref<128xi32, #tpu.memory_space<vmem>>
        %dma_wait3A_73 = arith.constant 0 : i32
        %dma_wait3A_74 = arith.constant 0 : i32
        %dma_wait3A_75 = tpu.memref_slice %arg2[%dma_wait3A_73, %dma_wait3A_74] : memref<20480x32xf32, #tpu.memory_space<hbm>> -> memref<20480x32xf32, #tpu.memory_space<hbm>>
        tpu.wait_indirect_dma semaphore(%arg12 : memref<!tpu.dma_semaphore, #tpu.memory_space<semaphore_mem>>) src(%dma_wait3A_75 : memref<20480x32xf32, #tpu.memory_space<hbm>>) dst(%dma_wait3A_69 : memref<128x32xf32, #tpu.memory_space<vmem>>)
        %run_scoped3A = arith.constant 1 : i32
        "tpu.region"() ({
          %run_scoped3A_76 = tpu.sem_alloc : memref<!tpu.dma_semaphore, #tpu.memory_space<semaphore_mem>>
          %dma_start3A_77 = arith.constant 0 : i32
          %dma_start3A_78 = arith.constant 0 : i32
          %dma_start3A_79 = tpu.memref_slice %arg9[%run_scoped3A, %dma_start3A_77, %dma_start3A_78] : memref<2x128x32xf32, #tpu.memory_space<vmem>> -> memref<1x128x32xf32, #tpu.memory_space<vmem>>
          %dma_start3A_80 = tpu.memref_squeeze %dma_start3A_79 : memref<1x128x32xf32, #tpu.memory_space<vmem>> -> memref<128x32xf32, #tpu.memory_space<vmem>>
          %dma_start3A_81 = arith.constant 0 : i32
          %dma_start3A_82 = tpu.memref_slice %arg8[%scan3A_28, %dma_start3A_81] : memref<160x128xi32, #tpu.memory_space<vmem>> -> memref<1x128xi32, #tpu.memory_space<vmem>>
          %dma_start3A_83 = tpu.memref_squeeze %dma_start3A_82 : memref<1x128xi32, #tpu.memory_space<vmem>> -> memref<128xi32, #tpu.memory_space<vmem>>
          %dma_start3A_84 = arith.constant 0 : i32
          %dma_start3A_85 = arith.constant 0 : i32
          %dma_start3A_86 = tpu.memref_slice %arg10[%dma_start3A_84, %dma_start3A_85] : memref<10240x32xf32, #tpu.memory_space<vmem_shared>> -> memref<10240x32xf32, #tpu.memory_space<vmem_shared>>
          tpu.enqueue_indirect_dma source(%dma_start3A_80 : memref<128x32xf32, #tpu.memory_space<vmem>>) target(%dma_start3A_86 : memref<10240x32xf32, #tpu.memory_space<vmem_shared>>) offsets(%dma_start3A_83 : memref<128xi32, #tpu.memory_space<vmem>>) semaphore(%run_scoped3A_76 : memref<!tpu.dma_semaphore, #tpu.memory_space<semaphore_mem>>) {add = true}
          %dma_wait3A_87 = arith.constant 0 : i32
          %dma_wait3A_88 = arith.constant 0 : i32
          %dma_wait3A_89 = tpu.memref_slice %arg9[%run_scoped3A, %dma_wait3A_87, %dma_wait3A_88] : memref<2x128x32xf32, #tpu.memory_space<vmem>> -> memref<1x128x32xf32, #tpu.memory_space<vmem>>
          %dma_wait3A_90 = tpu.memref_squeeze %dma_wait3A_89 : memref<1x128x32xf32, #tpu.memory_space<vmem>> -> memref<128x32xf32, #tpu.memory_space<vmem>>
          %dma_wait3A_91 = arith.constant 0 : i32
          %dma_wait3A_92 = tpu.memref_slice %arg8[%scan3A_28, %dma_wait3A_91] : memref<160x128xi32, #tpu.memory_space<vmem>> -> memref<1x128xi32, #tpu.memory_space<vmem>>
          %dma_wait3A_93 = tpu.memref_squeeze %dma_wait3A_92 : memref<1x128xi32, #tpu.memory_space<vmem>> -> memref<128xi32, #tpu.memory_space<vmem>>
          %dma_wait3A_94 = arith.constant 0 : i32
          %dma_wait3A_95 = arith.constant 0 : i32
          %dma_wait3A_96 = tpu.memref_slice %arg10[%dma_wait3A_94, %dma_wait3A_95] : memref<10240x32xf32, #tpu.memory_space<vmem_shared>> -> memref<10240x32xf32, #tpu.memory_space<vmem_shared>>
          tpu.wait_indirect_dma semaphore(%run_scoped3A_76 : memref<!tpu.dma_semaphore, #tpu.memory_space<semaphore_mem>>) src(%dma_wait3A_90 : memref<128x32xf32, #tpu.memory_space<vmem>>) dst(%dma_wait3A_96 : memref<10240x32xf32, #tpu.memory_space<vmem_shared>>)
          tpu.yield
        }) : () -> ()
      } else {
      }
    }
    %scan3A_22 = arith.constant 160 : i32
    %barrier3A_23 = arith.constant 0 : index
    tpu.barrier barrier_id(%barrier3A_23)
    %mul3A_24 = arith.constant 640 : i32
    %mul3A_25 = arith.muli %arg1, %mul3A_24 : i32
    %mul3A_26 = arith.constant 640 : i32
    %mul3A_27 = arith.muli %arg1, %mul3A_26 : i32
    "tpu.region"() ({
      %run_scoped3A = tpu.sem_alloc : memref<!tpu.dma_semaphore, #tpu.memory_space<semaphore_mem>>
      %dma_start3A_28 = arith.constant 0 : i32
      %dma_start3A_29 = tpu.memref_slice %arg6[%arg0, %mul3A_27, %dma_start3A_28] : memref<2x10240x32xf32, #tpu.memory_space<hbm>> -> memref<1x640x32xf32, #tpu.memory_space<hbm>>
      %dma_start3A_30 = tpu.memref_squeeze %dma_start3A_29 : memref<1x640x32xf32, #tpu.memory_space<hbm>> -> memref<640x32xf32, #tpu.memory_space<hbm>>
      %dma_start3A_31 = arith.constant 0 : i32
      %dma_start3A_32 = tpu.memref_slice %arg10[%mul3A_25, %dma_start3A_31] : memref<10240x32xf32, #tpu.memory_space<vmem_shared>> -> memref<640x32xf32, #tpu.memory_space<vmem_shared>>
      tpu.enqueue_dma source(%dma_start3A_32 : memref<640x32xf32, #tpu.memory_space<vmem_shared>>) target(%dma_start3A_30 : memref<640x32xf32, #tpu.memory_space<hbm>>) target_semaphore(%run_scoped3A : memref<!tpu.dma_semaphore, #tpu.memory_space<semaphore_mem>>)
      %dma_wait3A = arith.constant 0 : i32
      %dma_wait3A_33 = tpu.memref_slice %arg6[%arg0, %mul3A_27, %dma_wait3A] : memref<2x10240x32xf32, #tpu.memory_space<hbm>> -> memref<1x640x32xf32, #tpu.memory_space<hbm>>
      %dma_wait3A_34 = tpu.memref_squeeze %dma_wait3A_33 : memref<1x640x32xf32, #tpu.memory_space<hbm>> -> memref<640x32xf32, #tpu.memory_space<hbm>>
      %dma_wait3A_35 = arith.constant 0 : i32
      %dma_wait3A_36 = tpu.memref_slice %arg10[%mul3A_25, %dma_wait3A_35] : memref<10240x32xf32, #tpu.memory_space<vmem_shared>> -> memref<640x32xf32, #tpu.memory_space<vmem_shared>>
      tpu.wait_dma2 semaphore(%run_scoped3A : memref<!tpu.dma_semaphore, #tpu.memory_space<semaphore_mem>>) src(%dma_wait3A_36 : memref<640x32xf32, #tpu.memory_space<vmem_shared>>) dst(%dma_wait3A_34 : memref<640x32xf32, #tpu.memory_space<hbm>>)
      tpu.yield
    }) : () -> ()
    return
  }
}

#map = affine_map<(d0, d1) -> (0, 0)>
#map1 = affine_map<(d0, d1) -> (0, 0, 0)>
module attributes {stable_mosaic.version = 14 : i64} {
  func.func @agg_kernel(%arg0: i32, %arg1: i32, %arg2: memref<20480x64xf32, #tpu.memory_space<hbm>>, %arg3: memref<2x2560x128xi32, #tpu.memory_space<hbm>>, %arg4: memref<2560x128xi32, #tpu.memory_space<hbm>>, %arg5: memref<10240x64xf32, #tpu.memory_space<hbm>>, %arg6: memref<2x10240x64xf32, #tpu.memory_space<hbm>>, %arg7: memref<160x128xi32, #tpu.memory_space<vmem>>, %arg8: memref<160x128xi32, #tpu.memory_space<vmem>>, %arg9: memref<2x128x64xf32, #tpu.memory_space<vmem>>, %arg10: memref<10240x64xf32, #tpu.memory_space<vmem_shared>>, %arg11: memref<!tpu.dma_semaphore, #tpu.memory_space<semaphore_mem>>, %arg12: memref<!tpu.dma_semaphore, #tpu.memory_space<semaphore_mem>>) attributes {dimension_semantics = [#tpu.dimension_semantics<core_parallel>, #tpu.dimension_semantics<subcore_parallel>], iteration_bounds = array<i64: 2, 16>, scalar_prefetch = 0 : i64, scratch_operands = 6 : i64, tpu.core_type = #tpu.core_type<sc_vector_subcore>, window_params = [{transform_indices = #map}, {transform_indices = #map1}, {transform_indices = #map}, {transform_indices = #map}, {transform_indices = #map1}]} {
    %mul3A = arith.constant 640 : i32
    %mul3A_0 = arith.muli %arg1, %mul3A : i32
    %mul3A_1 = arith.constant 640 : i32
    %mul3A_2 = arith.muli %arg1, %mul3A_1 : i32
    "tpu.region"() ({
      %run_scoped3A = tpu.sem_alloc : memref<!tpu.dma_semaphore, #tpu.memory_space<semaphore_mem>>
      %dma_start3A_28 = arith.constant 0 : i32
      %dma_start3A_29 = tpu.memref_slice %arg10[%mul3A_2, %dma_start3A_28] : memref<10240x64xf32, #tpu.memory_space<vmem_shared>> -> memref<640x64xf32, #tpu.memory_space<vmem_shared>>
      %dma_start3A_30 = arith.constant 0 : i32
      %dma_start3A_31 = tpu.memref_slice %arg5[%mul3A_0, %dma_start3A_30] : memref<10240x64xf32, #tpu.memory_space<hbm>> -> memref<640x64xf32, #tpu.memory_space<hbm>>
      tpu.enqueue_dma source(%dma_start3A_31 : memref<640x64xf32, #tpu.memory_space<hbm>>) target(%dma_start3A_29 : memref<640x64xf32, #tpu.memory_space<vmem_shared>>) target_semaphore(%run_scoped3A : memref<!tpu.dma_semaphore, #tpu.memory_space<semaphore_mem>>)
      %dma_wait3A = arith.constant 0 : i32
      %dma_wait3A_32 = tpu.memref_slice %arg10[%mul3A_2, %dma_wait3A] : memref<10240x64xf32, #tpu.memory_space<vmem_shared>> -> memref<640x64xf32, #tpu.memory_space<vmem_shared>>
      %dma_wait3A_33 = arith.constant 0 : i32
      %dma_wait3A_34 = tpu.memref_slice %arg5[%mul3A_0, %dma_wait3A_33] : memref<10240x64xf32, #tpu.memory_space<hbm>> -> memref<640x64xf32, #tpu.memory_space<hbm>>
      tpu.wait_dma2 semaphore(%run_scoped3A : memref<!tpu.dma_semaphore, #tpu.memory_space<semaphore_mem>>) src(%dma_wait3A_34 : memref<640x64xf32, #tpu.memory_space<hbm>>) dst(%dma_wait3A_32 : memref<640x64xf32, #tpu.memory_space<vmem_shared>>)
      tpu.yield
    }) : () -> ()
    %mul3A_3 = arith.constant 160 : i32
    %mul3A_4 = arith.muli %arg1, %mul3A_3 : i32
    "tpu.region"() ({
      %run_scoped3A = tpu.sem_alloc : memref<!tpu.dma_semaphore, #tpu.memory_space<semaphore_mem>>
      %dma_start3A_28 = arith.constant 0 : i32
      %dma_start3A_29 = tpu.memref_slice %arg3[%arg0, %mul3A_4, %dma_start3A_28] : memref<2x2560x128xi32, #tpu.memory_space<hbm>> -> memref<1x160x128xi32, #tpu.memory_space<hbm>>
      %dma_start3A_30 = tpu.memref_squeeze %dma_start3A_29 : memref<1x160x128xi32, #tpu.memory_space<hbm>> -> memref<160x128xi32, #tpu.memory_space<hbm>>
      %dma_start3A_31 = arith.constant 0 : i32
      %dma_start3A_32 = tpu.memref_slice %arg3[%arg0, %mul3A_4, %dma_start3A_31] : memref<2x2560x128xi32, #tpu.memory_space<hbm>> -> memref<1x160x128xi32, #tpu.memory_space<hbm>>
      %dma_start3A_33 = tpu.memref_squeeze %dma_start3A_32 : memref<1x160x128xi32, #tpu.memory_space<hbm>> -> memref<160x128xi32, #tpu.memory_space<hbm>>
      tpu.enqueue_dma source(%dma_start3A_33 : memref<160x128xi32, #tpu.memory_space<hbm>>) target(%arg7 : memref<160x128xi32, #tpu.memory_space<vmem>>) target_semaphore(%run_scoped3A : memref<!tpu.dma_semaphore, #tpu.memory_space<semaphore_mem>>)
      %dma_wait3A = arith.constant 0 : i32
      %dma_wait3A_34 = tpu.memref_slice %arg3[%arg0, %mul3A_4, %dma_wait3A] : memref<2x2560x128xi32, #tpu.memory_space<hbm>> -> memref<1x160x128xi32, #tpu.memory_space<hbm>>
      %dma_wait3A_35 = tpu.memref_squeeze %dma_wait3A_34 : memref<1x160x128xi32, #tpu.memory_space<hbm>> -> memref<160x128xi32, #tpu.memory_space<hbm>>
      %dma_wait3A_36 = arith.constant 0 : i32
      %dma_wait3A_37 = tpu.memref_slice %arg3[%arg0, %mul3A_4, %dma_wait3A_36] : memref<2x2560x128xi32, #tpu.memory_space<hbm>> -> memref<1x160x128xi32, #tpu.memory_space<hbm>>
      %dma_wait3A_38 = tpu.memref_squeeze %dma_wait3A_37 : memref<1x160x128xi32, #tpu.memory_space<hbm>> -> memref<160x128xi32, #tpu.memory_space<hbm>>
      tpu.wait_dma2 semaphore(%run_scoped3A : memref<!tpu.dma_semaphore, #tpu.memory_space<semaphore_mem>>) src(%dma_wait3A_38 : memref<160x128xi32, #tpu.memory_space<hbm>>) dst(%arg7 : memref<160x128xi32, #tpu.memory_space<vmem>>)
      tpu.yield
    }) : () -> ()
    %mul3A_5 = arith.constant 160 : i32
    %mul3A_6 = arith.muli %arg1, %mul3A_5 : i32
    "tpu.region"() ({
      %run_scoped3A = tpu.sem_alloc : memref<!tpu.dma_semaphore, #tpu.memory_space<semaphore_mem>>
      %dma_start3A_28 = arith.constant 0 : i32
      %dma_start3A_29 = tpu.memref_slice %arg4[%mul3A_6, %dma_start3A_28] : memref<2560x128xi32, #tpu.memory_space<hbm>> -> memref<160x128xi32, #tpu.memory_space<hbm>>
      %dma_start3A_30 = arith.constant 0 : i32
      %dma_start3A_31 = tpu.memref_slice %arg4[%mul3A_6, %dma_start3A_30] : memref<2560x128xi32, #tpu.memory_space<hbm>> -> memref<160x128xi32, #tpu.memory_space<hbm>>
      tpu.enqueue_dma source(%dma_start3A_31 : memref<160x128xi32, #tpu.memory_space<hbm>>) target(%arg8 : memref<160x128xi32, #tpu.memory_space<vmem>>) target_semaphore(%run_scoped3A : memref<!tpu.dma_semaphore, #tpu.memory_space<semaphore_mem>>)
      %dma_wait3A = arith.constant 0 : i32
      %dma_wait3A_32 = tpu.memref_slice %arg4[%mul3A_6, %dma_wait3A] : memref<2560x128xi32, #tpu.memory_space<hbm>> -> memref<160x128xi32, #tpu.memory_space<hbm>>
      %dma_wait3A_33 = arith.constant 0 : i32
      %dma_wait3A_34 = tpu.memref_slice %arg4[%mul3A_6, %dma_wait3A_33] : memref<2560x128xi32, #tpu.memory_space<hbm>> -> memref<160x128xi32, #tpu.memory_space<hbm>>
      tpu.wait_dma2 semaphore(%run_scoped3A : memref<!tpu.dma_semaphore, #tpu.memory_space<semaphore_mem>>) src(%dma_wait3A_34 : memref<160x128xi32, #tpu.memory_space<hbm>>) dst(%arg8 : memref<160x128xi32, #tpu.memory_space<vmem>>)
      tpu.yield
    }) : () -> ()
    %barrier3A = arith.constant 0 : index
    tpu.barrier barrier_id(%barrier3A)
    %dma_start3A = arith.constant 0 : i32
    %dma_start3A_7 = arith.constant 0 : i32
    %dma_start3A_8 = arith.constant 0 : i32
    %dma_start3A_9 = arith.constant 0 : i32
    %dma_start3A_10 = tpu.memref_slice %arg9[%dma_start3A_7, %dma_start3A_8, %dma_start3A_9] : memref<2x128x64xf32, #tpu.memory_space<vmem>> -> memref<1x128x64xf32, #tpu.memory_space<vmem>>
    %dma_start3A_11 = tpu.memref_squeeze %dma_start3A_10 : memref<1x128x64xf32, #tpu.memory_space<vmem>> -> memref<128x64xf32, #tpu.memory_space<vmem>>
    %dma_start3A_12 = arith.constant 0 : i32
    %dma_start3A_13 = tpu.memref_slice %arg7[%dma_start3A, %dma_start3A_12] : memref<160x128xi32, #tpu.memory_space<vmem>> -> memref<1x128xi32, #tpu.memory_space<vmem>>
    %dma_start3A_14 = tpu.memref_squeeze %dma_start3A_13 : memref<1x128xi32, #tpu.memory_space<vmem>> -> memref<128xi32, #tpu.memory_space<vmem>>
    %dma_start3A_15 = arith.constant 0 : i32
    %dma_start3A_16 = arith.constant 0 : i32
    %dma_start3A_17 = tpu.memref_slice %arg2[%dma_start3A_15, %dma_start3A_16] : memref<20480x64xf32, #tpu.memory_space<hbm>> -> memref<20480x64xf32, #tpu.memory_space<hbm>>
    tpu.enqueue_indirect_dma source(%dma_start3A_17 : memref<20480x64xf32, #tpu.memory_space<hbm>>) target(%dma_start3A_11 : memref<128x64xf32, #tpu.memory_space<vmem>>) offsets(%dma_start3A_14 : memref<128xi32, #tpu.memory_space<vmem>>) semaphore(%arg11 : memref<!tpu.dma_semaphore, #tpu.memory_space<semaphore_mem>>)
    %scan3A = arith.constant 0 : i32
    %scan3A_18 = arith.constant 0 : i32
    %scan3A_19 = arith.constant 160 : i32
    %scan3A_20 = arith.addi %scan3A_18, %scan3A_19 : i32
    %scan3A_21 = arith.constant 1 : i32
    scf.for %scan3A_28 = %scan3A_18 to %scan3A_20 step %scan3A_21  : i32 {
      %lt3A = arith.constant 159 : i32
      %lt3A_29 = arith.cmpi slt, %scan3A_28, %lt3A : i32
      %convert_element_type3A = arith.extui %lt3A_29 : i1 to i32
      %cond3A = arith.constant 0 : i32
      %cond3A_30 = arith.cmpi ne, %convert_element_type3A, %cond3A : i32
      scf.if %cond3A_30 {
        %jit3A_66 = arith.constant 2 : i32
        %eq3A_67 = arith.constant 0 : i32
        %eq3A_68 = arith.cmpi eq, %jit3A_66, %eq3A_67 : i32
        %jit3A_69 = arith.constant 1 : i32
        %select_n3A_70 = arith.select %eq3A_68, %jit3A_69, %jit3A_66 : i32
        %rem3A_71 = arith.remsi %scan3A_28, %select_n3A_70 : i32
        %ne3A_72 = arith.constant 0 : i32
        %ne3A_73 = arith.cmpi ne, %rem3A_71, %ne3A_72 : i32
        %lt3A_74 = arith.constant 0 : i32
        %lt3A_75 = arith.cmpi slt, %rem3A_71, %lt3A_74 : i32
        %lt3A_76 = arith.constant 0 : i32
        %lt3A_77 = arith.cmpi slt, %select_n3A_70, %lt3A_76 : i32
        %ne3A_78 = arith.xori %lt3A_75, %lt3A_77 : i1
        %and3A_79 = arith.andi %ne3A_78, %ne3A_73 : i1
        %add3A_80 = arith.addi %rem3A_71, %select_n3A_70 : i32
        %select_n3A_81 = arith.select %and3A_79, %add3A_80, %rem3A_71 : i32
        %eq3A_82 = arith.constant 0 : i32
        %eq3A_83 = arith.cmpi eq, %select_n3A_81, %eq3A_82 : i32
        %convert_element_type3A_84 = arith.extui %eq3A_83 : i1 to i32
        %cond3A_85 = arith.constant 0 : i32
        %cond3A_86 = arith.cmpi ne, %convert_element_type3A_84, %cond3A_85 : i32
        scf.if %cond3A_86 {
          %add3A_108 = arith.constant 1 : i32
          %add3A_109 = arith.addi %scan3A_28, %add3A_108 : i32
          %dma_start3A_110 = arith.constant 1 : i32
          %dma_start3A_111 = arith.constant 0 : i32
          %dma_start3A_112 = arith.constant 0 : i32
          %dma_start3A_113 = tpu.memref_slice %arg9[%dma_start3A_110, %dma_start3A_111, %dma_start3A_112] : memref<2x128x64xf32, #tpu.memory_space<vmem>> -> memref<1x128x64xf32, #tpu.memory_space<vmem>>
          %dma_start3A_114 = tpu.memref_squeeze %dma_start3A_113 : memref<1x128x64xf32, #tpu.memory_space<vmem>> -> memref<128x64xf32, #tpu.memory_space<vmem>>
          %dma_start3A_115 = arith.constant 0 : i32
          %dma_start3A_116 = tpu.memref_slice %arg7[%add3A_109, %dma_start3A_115] : memref<160x128xi32, #tpu.memory_space<vmem>> -> memref<1x128xi32, #tpu.memory_space<vmem>>
          %dma_start3A_117 = tpu.memref_squeeze %dma_start3A_116 : memref<1x128xi32, #tpu.memory_space<vmem>> -> memref<128xi32, #tpu.memory_space<vmem>>
          %dma_start3A_118 = arith.constant 0 : i32
          %dma_start3A_119 = arith.constant 0 : i32
          %dma_start3A_120 = tpu.memref_slice %arg2[%dma_start3A_118, %dma_start3A_119] : memref<20480x64xf32, #tpu.memory_space<hbm>> -> memref<20480x64xf32, #tpu.memory_space<hbm>>
          tpu.enqueue_indirect_dma source(%dma_start3A_120 : memref<20480x64xf32, #tpu.memory_space<hbm>>) target(%dma_start3A_114 : memref<128x64xf32, #tpu.memory_space<vmem>>) offsets(%dma_start3A_117 : memref<128xi32, #tpu.memory_space<vmem>>) semaphore(%arg12 : memref<!tpu.dma_semaphore, #tpu.memory_space<semaphore_mem>>)
        } else {
        }
        %jit3A_87 = arith.constant 2 : i32
        %eq3A_88 = arith.constant 0 : i32
        %eq3A_89 = arith.cmpi eq, %jit3A_87, %eq3A_88 : i32
        %jit3A_90 = arith.constant 1 : i32
        %select_n3A_91 = arith.select %eq3A_89, %jit3A_90, %jit3A_87 : i32
        %rem3A_92 = arith.remsi %scan3A_28, %select_n3A_91 : i32
        %ne3A_93 = arith.constant 0 : i32
        %ne3A_94 = arith.cmpi ne, %rem3A_92, %ne3A_93 : i32
        %lt3A_95 = arith.constant 0 : i32
        %lt3A_96 = arith.cmpi slt, %rem3A_92, %lt3A_95 : i32
        %lt3A_97 = arith.constant 0 : i32
        %lt3A_98 = arith.cmpi slt, %select_n3A_91, %lt3A_97 : i32
        %ne3A_99 = arith.xori %lt3A_96, %lt3A_98 : i1
        %and3A_100 = arith.andi %ne3A_99, %ne3A_94 : i1
        %add3A_101 = arith.addi %rem3A_92, %select_n3A_91 : i32
        %select_n3A_102 = arith.select %and3A_100, %add3A_101, %rem3A_92 : i32
        %eq3A_103 = arith.constant 1 : i32
        %eq3A_104 = arith.cmpi eq, %select_n3A_102, %eq3A_103 : i32
        %convert_element_type3A_105 = arith.extui %eq3A_104 : i1 to i32
        %cond3A_106 = arith.constant 0 : i32
        %cond3A_107 = arith.cmpi ne, %convert_element_type3A_105, %cond3A_106 : i32
        scf.if %cond3A_107 {
          %add3A_108 = arith.constant 1 : i32
          %add3A_109 = arith.addi %scan3A_28, %add3A_108 : i32
          %dma_start3A_110 = arith.constant 0 : i32
          %dma_start3A_111 = arith.constant 0 : i32
          %dma_start3A_112 = arith.constant 0 : i32
          %dma_start3A_113 = tpu.memref_slice %arg9[%dma_start3A_110, %dma_start3A_111, %dma_start3A_112] : memref<2x128x64xf32, #tpu.memory_space<vmem>> -> memref<1x128x64xf32, #tpu.memory_space<vmem>>
          %dma_start3A_114 = tpu.memref_squeeze %dma_start3A_113 : memref<1x128x64xf32, #tpu.memory_space<vmem>> -> memref<128x64xf32, #tpu.memory_space<vmem>>
          %dma_start3A_115 = arith.constant 0 : i32
          %dma_start3A_116 = tpu.memref_slice %arg7[%add3A_109, %dma_start3A_115] : memref<160x128xi32, #tpu.memory_space<vmem>> -> memref<1x128xi32, #tpu.memory_space<vmem>>
          %dma_start3A_117 = tpu.memref_squeeze %dma_start3A_116 : memref<1x128xi32, #tpu.memory_space<vmem>> -> memref<128xi32, #tpu.memory_space<vmem>>
          %dma_start3A_118 = arith.constant 0 : i32
          %dma_start3A_119 = arith.constant 0 : i32
          %dma_start3A_120 = tpu.memref_slice %arg2[%dma_start3A_118, %dma_start3A_119] : memref<20480x64xf32, #tpu.memory_space<hbm>> -> memref<20480x64xf32, #tpu.memory_space<hbm>>
          tpu.enqueue_indirect_dma source(%dma_start3A_120 : memref<20480x64xf32, #tpu.memory_space<hbm>>) target(%dma_start3A_114 : memref<128x64xf32, #tpu.memory_space<vmem>>) offsets(%dma_start3A_117 : memref<128xi32, #tpu.memory_space<vmem>>) semaphore(%arg11 : memref<!tpu.dma_semaphore, #tpu.memory_space<semaphore_mem>>)
        } else {
        }
      } else {
      }
      %jit3A = arith.constant 2 : i32
      %eq3A = arith.constant 0 : i32
      %eq3A_31 = arith.cmpi eq, %jit3A, %eq3A : i32
      %jit3A_32 = arith.constant 1 : i32
      %select_n3A = arith.select %eq3A_31, %jit3A_32, %jit3A : i32
      %rem3A = arith.remsi %scan3A_28, %select_n3A : i32
      %ne3A = arith.constant 0 : i32
      %ne3A_33 = arith.cmpi ne, %rem3A, %ne3A : i32
      %lt3A_34 = arith.constant 0 : i32
      %lt3A_35 = arith.cmpi slt, %rem3A, %lt3A_34 : i32
      %lt3A_36 = arith.constant 0 : i32
      %lt3A_37 = arith.cmpi slt, %select_n3A, %lt3A_36 : i32
      %ne3A_38 = arith.xori %lt3A_35, %lt3A_37 : i1
      %and3A = arith.andi %ne3A_38, %ne3A_33 : i1
      %add3A = arith.addi %rem3A, %select_n3A : i32
      %select_n3A_39 = arith.select %and3A, %add3A, %rem3A : i32
      %eq3A_40 = arith.constant 0 : i32
      %eq3A_41 = arith.cmpi eq, %select_n3A_39, %eq3A_40 : i32
      %convert_element_type3A_42 = arith.extui %eq3A_41 : i1 to i32
      %cond3A_43 = arith.constant 0 : i32
      %cond3A_44 = arith.cmpi ne, %convert_element_type3A_42, %cond3A_43 : i32
      scf.if %cond3A_44 {
        %dma_wait3A = arith.constant 0 : i32
        %dma_wait3A_66 = arith.constant 0 : i32
        %dma_wait3A_67 = arith.constant 0 : i32
        %dma_wait3A_68 = tpu.memref_slice %arg9[%dma_wait3A, %dma_wait3A_66, %dma_wait3A_67] : memref<2x128x64xf32, #tpu.memory_space<vmem>> -> memref<1x128x64xf32, #tpu.memory_space<vmem>>
        %dma_wait3A_69 = tpu.memref_squeeze %dma_wait3A_68 : memref<1x128x64xf32, #tpu.memory_space<vmem>> -> memref<128x64xf32, #tpu.memory_space<vmem>>
        %dma_wait3A_70 = arith.constant 0 : i32
        %dma_wait3A_71 = tpu.memref_slice %arg7[%scan3A_28, %dma_wait3A_70] : memref<160x128xi32, #tpu.memory_space<vmem>> -> memref<1x128xi32, #tpu.memory_space<vmem>>
        %dma_wait3A_72 = tpu.memref_squeeze %dma_wait3A_71 : memref<1x128xi32, #tpu.memory_space<vmem>> -> memref<128xi32, #tpu.memory_space<vmem>>
        %dma_wait3A_73 = arith.constant 0 : i32
        %dma_wait3A_74 = arith.constant 0 : i32
        %dma_wait3A_75 = tpu.memref_slice %arg2[%dma_wait3A_73, %dma_wait3A_74] : memref<20480x64xf32, #tpu.memory_space<hbm>> -> memref<20480x64xf32, #tpu.memory_space<hbm>>
        tpu.wait_indirect_dma semaphore(%arg11 : memref<!tpu.dma_semaphore, #tpu.memory_space<semaphore_mem>>) src(%dma_wait3A_75 : memref<20480x64xf32, #tpu.memory_space<hbm>>) dst(%dma_wait3A_69 : memref<128x64xf32, #tpu.memory_space<vmem>>)
        %run_scoped3A = arith.constant 0 : i32
        "tpu.region"() ({
          %run_scoped3A_76 = tpu.sem_alloc : memref<!tpu.dma_semaphore, #tpu.memory_space<semaphore_mem>>
          %dma_start3A_77 = arith.constant 0 : i32
          %dma_start3A_78 = arith.constant 0 : i32
          %dma_start3A_79 = tpu.memref_slice %arg9[%run_scoped3A, %dma_start3A_77, %dma_start3A_78] : memref<2x128x64xf32, #tpu.memory_space<vmem>> -> memref<1x128x64xf32, #tpu.memory_space<vmem>>
          %dma_start3A_80 = tpu.memref_squeeze %dma_start3A_79 : memref<1x128x64xf32, #tpu.memory_space<vmem>> -> memref<128x64xf32, #tpu.memory_space<vmem>>
          %dma_start3A_81 = arith.constant 0 : i32
          %dma_start3A_82 = tpu.memref_slice %arg8[%scan3A_28, %dma_start3A_81] : memref<160x128xi32, #tpu.memory_space<vmem>> -> memref<1x128xi32, #tpu.memory_space<vmem>>
          %dma_start3A_83 = tpu.memref_squeeze %dma_start3A_82 : memref<1x128xi32, #tpu.memory_space<vmem>> -> memref<128xi32, #tpu.memory_space<vmem>>
          %dma_start3A_84 = arith.constant 0 : i32
          %dma_start3A_85 = arith.constant 0 : i32
          %dma_start3A_86 = tpu.memref_slice %arg10[%dma_start3A_84, %dma_start3A_85] : memref<10240x64xf32, #tpu.memory_space<vmem_shared>> -> memref<10240x64xf32, #tpu.memory_space<vmem_shared>>
          tpu.enqueue_indirect_dma source(%dma_start3A_80 : memref<128x64xf32, #tpu.memory_space<vmem>>) target(%dma_start3A_86 : memref<10240x64xf32, #tpu.memory_space<vmem_shared>>) offsets(%dma_start3A_83 : memref<128xi32, #tpu.memory_space<vmem>>) semaphore(%run_scoped3A_76 : memref<!tpu.dma_semaphore, #tpu.memory_space<semaphore_mem>>) {add = true}
          %dma_wait3A_87 = arith.constant 0 : i32
          %dma_wait3A_88 = arith.constant 0 : i32
          %dma_wait3A_89 = tpu.memref_slice %arg9[%run_scoped3A, %dma_wait3A_87, %dma_wait3A_88] : memref<2x128x64xf32, #tpu.memory_space<vmem>> -> memref<1x128x64xf32, #tpu.memory_space<vmem>>
          %dma_wait3A_90 = tpu.memref_squeeze %dma_wait3A_89 : memref<1x128x64xf32, #tpu.memory_space<vmem>> -> memref<128x64xf32, #tpu.memory_space<vmem>>
          %dma_wait3A_91 = arith.constant 0 : i32
          %dma_wait3A_92 = tpu.memref_slice %arg8[%scan3A_28, %dma_wait3A_91] : memref<160x128xi32, #tpu.memory_space<vmem>> -> memref<1x128xi32, #tpu.memory_space<vmem>>
          %dma_wait3A_93 = tpu.memref_squeeze %dma_wait3A_92 : memref<1x128xi32, #tpu.memory_space<vmem>> -> memref<128xi32, #tpu.memory_space<vmem>>
          %dma_wait3A_94 = arith.constant 0 : i32
          %dma_wait3A_95 = arith.constant 0 : i32
          %dma_wait3A_96 = tpu.memref_slice %arg10[%dma_wait3A_94, %dma_wait3A_95] : memref<10240x64xf32, #tpu.memory_space<vmem_shared>> -> memref<10240x64xf32, #tpu.memory_space<vmem_shared>>
          tpu.wait_indirect_dma semaphore(%run_scoped3A_76 : memref<!tpu.dma_semaphore, #tpu.memory_space<semaphore_mem>>) src(%dma_wait3A_90 : memref<128x64xf32, #tpu.memory_space<vmem>>) dst(%dma_wait3A_96 : memref<10240x64xf32, #tpu.memory_space<vmem_shared>>)
          tpu.yield
        }) : () -> ()
      } else {
      }
      %jit3A_45 = arith.constant 2 : i32
      %eq3A_46 = arith.constant 0 : i32
      %eq3A_47 = arith.cmpi eq, %jit3A_45, %eq3A_46 : i32
      %jit3A_48 = arith.constant 1 : i32
      %select_n3A_49 = arith.select %eq3A_47, %jit3A_48, %jit3A_45 : i32
      %rem3A_50 = arith.remsi %scan3A_28, %select_n3A_49 : i32
      %ne3A_51 = arith.constant 0 : i32
      %ne3A_52 = arith.cmpi ne, %rem3A_50, %ne3A_51 : i32
      %lt3A_53 = arith.constant 0 : i32
      %lt3A_54 = arith.cmpi slt, %rem3A_50, %lt3A_53 : i32
      %lt3A_55 = arith.constant 0 : i32
      %lt3A_56 = arith.cmpi slt, %select_n3A_49, %lt3A_55 : i32
      %ne3A_57 = arith.xori %lt3A_54, %lt3A_56 : i1
      %and3A_58 = arith.andi %ne3A_57, %ne3A_52 : i1
      %add3A_59 = arith.addi %rem3A_50, %select_n3A_49 : i32
      %select_n3A_60 = arith.select %and3A_58, %add3A_59, %rem3A_50 : i32
      %eq3A_61 = arith.constant 1 : i32
      %eq3A_62 = arith.cmpi eq, %select_n3A_60, %eq3A_61 : i32
      %convert_element_type3A_63 = arith.extui %eq3A_62 : i1 to i32
      %cond3A_64 = arith.constant 0 : i32
      %cond3A_65 = arith.cmpi ne, %convert_element_type3A_63, %cond3A_64 : i32
      scf.if %cond3A_65 {
        %dma_wait3A = arith.constant 1 : i32
        %dma_wait3A_66 = arith.constant 0 : i32
        %dma_wait3A_67 = arith.constant 0 : i32
        %dma_wait3A_68 = tpu.memref_slice %arg9[%dma_wait3A, %dma_wait3A_66, %dma_wait3A_67] : memref<2x128x64xf32, #tpu.memory_space<vmem>> -> memref<1x128x64xf32, #tpu.memory_space<vmem>>
        %dma_wait3A_69 = tpu.memref_squeeze %dma_wait3A_68 : memref<1x128x64xf32, #tpu.memory_space<vmem>> -> memref<128x64xf32, #tpu.memory_space<vmem>>
        %dma_wait3A_70 = arith.constant 0 : i32
        %dma_wait3A_71 = tpu.memref_slice %arg7[%scan3A_28, %dma_wait3A_70] : memref<160x128xi32, #tpu.memory_space<vmem>> -> memref<1x128xi32, #tpu.memory_space<vmem>>
        %dma_wait3A_72 = tpu.memref_squeeze %dma_wait3A_71 : memref<1x128xi32, #tpu.memory_space<vmem>> -> memref<128xi32, #tpu.memory_space<vmem>>
        %dma_wait3A_73 = arith.constant 0 : i32
        %dma_wait3A_74 = arith.constant 0 : i32
        %dma_wait3A_75 = tpu.memref_slice %arg2[%dma_wait3A_73, %dma_wait3A_74] : memref<20480x64xf32, #tpu.memory_space<hbm>> -> memref<20480x64xf32, #tpu.memory_space<hbm>>
        tpu.wait_indirect_dma semaphore(%arg12 : memref<!tpu.dma_semaphore, #tpu.memory_space<semaphore_mem>>) src(%dma_wait3A_75 : memref<20480x64xf32, #tpu.memory_space<hbm>>) dst(%dma_wait3A_69 : memref<128x64xf32, #tpu.memory_space<vmem>>)
        %run_scoped3A = arith.constant 1 : i32
        "tpu.region"() ({
          %run_scoped3A_76 = tpu.sem_alloc : memref<!tpu.dma_semaphore, #tpu.memory_space<semaphore_mem>>
          %dma_start3A_77 = arith.constant 0 : i32
          %dma_start3A_78 = arith.constant 0 : i32
          %dma_start3A_79 = tpu.memref_slice %arg9[%run_scoped3A, %dma_start3A_77, %dma_start3A_78] : memref<2x128x64xf32, #tpu.memory_space<vmem>> -> memref<1x128x64xf32, #tpu.memory_space<vmem>>
          %dma_start3A_80 = tpu.memref_squeeze %dma_start3A_79 : memref<1x128x64xf32, #tpu.memory_space<vmem>> -> memref<128x64xf32, #tpu.memory_space<vmem>>
          %dma_start3A_81 = arith.constant 0 : i32
          %dma_start3A_82 = tpu.memref_slice %arg8[%scan3A_28, %dma_start3A_81] : memref<160x128xi32, #tpu.memory_space<vmem>> -> memref<1x128xi32, #tpu.memory_space<vmem>>
          %dma_start3A_83 = tpu.memref_squeeze %dma_start3A_82 : memref<1x128xi32, #tpu.memory_space<vmem>> -> memref<128xi32, #tpu.memory_space<vmem>>
          %dma_start3A_84 = arith.constant 0 : i32
          %dma_start3A_85 = arith.constant 0 : i32
          %dma_start3A_86 = tpu.memref_slice %arg10[%dma_start3A_84, %dma_start3A_85] : memref<10240x64xf32, #tpu.memory_space<vmem_shared>> -> memref<10240x64xf32, #tpu.memory_space<vmem_shared>>
          tpu.enqueue_indirect_dma source(%dma_start3A_80 : memref<128x64xf32, #tpu.memory_space<vmem>>) target(%dma_start3A_86 : memref<10240x64xf32, #tpu.memory_space<vmem_shared>>) offsets(%dma_start3A_83 : memref<128xi32, #tpu.memory_space<vmem>>) semaphore(%run_scoped3A_76 : memref<!tpu.dma_semaphore, #tpu.memory_space<semaphore_mem>>) {add = true}
          %dma_wait3A_87 = arith.constant 0 : i32
          %dma_wait3A_88 = arith.constant 0 : i32
          %dma_wait3A_89 = tpu.memref_slice %arg9[%run_scoped3A, %dma_wait3A_87, %dma_wait3A_88] : memref<2x128x64xf32, #tpu.memory_space<vmem>> -> memref<1x128x64xf32, #tpu.memory_space<vmem>>
          %dma_wait3A_90 = tpu.memref_squeeze %dma_wait3A_89 : memref<1x128x64xf32, #tpu.memory_space<vmem>> -> memref<128x64xf32, #tpu.memory_space<vmem>>
          %dma_wait3A_91 = arith.constant 0 : i32
          %dma_wait3A_92 = tpu.memref_slice %arg8[%scan3A_28, %dma_wait3A_91] : memref<160x128xi32, #tpu.memory_space<vmem>> -> memref<1x128xi32, #tpu.memory_space<vmem>>
          %dma_wait3A_93 = tpu.memref_squeeze %dma_wait3A_92 : memref<1x128xi32, #tpu.memory_space<vmem>> -> memref<128xi32, #tpu.memory_space<vmem>>
          %dma_wait3A_94 = arith.constant 0 : i32
          %dma_wait3A_95 = arith.constant 0 : i32
          %dma_wait3A_96 = tpu.memref_slice %arg10[%dma_wait3A_94, %dma_wait3A_95] : memref<10240x64xf32, #tpu.memory_space<vmem_shared>> -> memref<10240x64xf32, #tpu.memory_space<vmem_shared>>
          tpu.wait_indirect_dma semaphore(%run_scoped3A_76 : memref<!tpu.dma_semaphore, #tpu.memory_space<semaphore_mem>>) src(%dma_wait3A_90 : memref<128x64xf32, #tpu.memory_space<vmem>>) dst(%dma_wait3A_96 : memref<10240x64xf32, #tpu.memory_space<vmem_shared>>)
          tpu.yield
        }) : () -> ()
      } else {
      }
    }
    %scan3A_22 = arith.constant 160 : i32
    %barrier3A_23 = arith.constant 0 : index
    tpu.barrier barrier_id(%barrier3A_23)
    %mul3A_24 = arith.constant 640 : i32
    %mul3A_25 = arith.muli %arg1, %mul3A_24 : i32
    %mul3A_26 = arith.constant 640 : i32
    %mul3A_27 = arith.muli %arg1, %mul3A_26 : i32
    "tpu.region"() ({
      %run_scoped3A = tpu.sem_alloc : memref<!tpu.dma_semaphore, #tpu.memory_space<semaphore_mem>>
      %dma_start3A_28 = arith.constant 0 : i32
      %dma_start3A_29 = tpu.memref_slice %arg6[%arg0, %mul3A_27, %dma_start3A_28] : memref<2x10240x64xf32, #tpu.memory_space<hbm>> -> memref<1x640x64xf32, #tpu.memory_space<hbm>>
      %dma_start3A_30 = tpu.memref_squeeze %dma_start3A_29 : memref<1x640x64xf32, #tpu.memory_space<hbm>> -> memref<640x64xf32, #tpu.memory_space<hbm>>
      %dma_start3A_31 = arith.constant 0 : i32
      %dma_start3A_32 = tpu.memref_slice %arg10[%mul3A_25, %dma_start3A_31] : memref<10240x64xf32, #tpu.memory_space<vmem_shared>> -> memref<640x64xf32, #tpu.memory_space<vmem_shared>>
      tpu.enqueue_dma source(%dma_start3A_32 : memref<640x64xf32, #tpu.memory_space<vmem_shared>>) target(%dma_start3A_30 : memref<640x64xf32, #tpu.memory_space<hbm>>) target_semaphore(%run_scoped3A : memref<!tpu.dma_semaphore, #tpu.memory_space<semaphore_mem>>)
      %dma_wait3A = arith.constant 0 : i32
      %dma_wait3A_33 = tpu.memref_slice %arg6[%arg0, %mul3A_27, %dma_wait3A] : memref<2x10240x64xf32, #tpu.memory_space<hbm>> -> memref<1x640x64xf32, #tpu.memory_space<hbm>>
      %dma_wait3A_34 = tpu.memref_squeeze %dma_wait3A_33 : memref<1x640x64xf32, #tpu.memory_space<hbm>> -> memref<640x64xf32, #tpu.memory_space<hbm>>
      %dma_wait3A_35 = arith.constant 0 : i32
      %dma_wait3A_36 = tpu.memref_slice %arg10[%mul3A_25, %dma_wait3A_35] : memref<10240x64xf32, #tpu.memory_space<vmem_shared>> -> memref<640x64xf32, #tpu.memory_space<vmem_shared>>
      tpu.wait_dma2 semaphore(%run_scoped3A : memref<!tpu.dma_semaphore, #tpu.memory_space<semaphore_mem>>) src(%dma_wait3A_36 : memref<640x64xf32, #tpu.memory_space<vmem_shared>>) dst(%dma_wait3A_34 : memref<640x64xf32, #tpu.memory_space<hbm>>)
      tpu.yield
    }) : () -> ()
    return
  }
}

#map = affine_map<(d0, d1) -> (0, 0)>
#map1 = affine_map<(d0, d1) -> (0)>
module attributes {stable_mosaic.version = 14 : i64} {
  func.func @deg_kernel(%arg0: i32, %arg1: i32, %arg2: memref<2560x128xi32, #tpu.memory_space<hbm>>, %arg3: memref<2560x128xi32, #tpu.memory_space<hbm>>, %arg4: memref<10240xf32, #tpu.memory_space<hbm>>, %arg5: memref<2x10240xf32, #tpu.memory_space<hbm>>, %arg6: memref<2x10240xf32, #tpu.memory_space<hbm>>, %arg7: memref<80x128xi32, #tpu.memory_space<vmem>>, %arg8: memref<80x128xi32, #tpu.memory_space<vmem>>, %arg9: memref<128xf32, #tpu.memory_space<vmem>>, %arg10: memref<10240xf32, #tpu.memory_space<vmem_shared>>, %arg11: memref<10240xf32, #tpu.memory_space<vmem_shared>>) attributes {dimension_semantics = [#tpu.dimension_semantics<core_parallel>, #tpu.dimension_semantics<subcore_parallel>], iteration_bounds = array<i64: 2, 16>, scalar_prefetch = 0 : i64, scratch_operands = 5 : i64, tpu.core_type = #tpu.core_type<sc_vector_subcore>, window_params = [{transform_indices = #map}, {transform_indices = #map}, {transform_indices = #map1}, {transform_indices = #map}, {transform_indices = #map}]} {
    %mul3A = arith.constant 2 : i32
    %mul3A_0 = arith.muli %arg1, %mul3A : i32
    %add3A = arith.addi %mul3A_0, %arg0 : i32
    %mul3A_1 = arith.constant 640 : i32
    %mul3A_2 = arith.muli %arg1, %mul3A_1 : i32
    %mul3A_3 = arith.constant 640 : i32
    %mul3A_4 = arith.muli %arg1, %mul3A_3 : i32
    "tpu.region"() ({
      %run_scoped3A = tpu.sem_alloc : memref<!tpu.dma_semaphore, #tpu.memory_space<semaphore_mem>>
      %dma_start3A = tpu.memref_slice %arg10[%mul3A_4] : memref<10240xf32, #tpu.memory_space<vmem_shared>> -> memref<640xf32, #tpu.memory_space<vmem_shared>>
      %dma_start3A_73 = tpu.memref_slice %arg4[%mul3A_2] : memref<10240xf32, #tpu.memory_space<hbm>> -> memref<640xf32, #tpu.memory_space<hbm>>
      tpu.enqueue_dma source(%dma_start3A_73 : memref<640xf32, #tpu.memory_space<hbm>>) target(%dma_start3A : memref<640xf32, #tpu.memory_space<vmem_shared>>) target_semaphore(%run_scoped3A : memref<!tpu.dma_semaphore, #tpu.memory_space<semaphore_mem>>)
      %dma_wait3A = tpu.memref_slice %arg10[%mul3A_4] : memref<10240xf32, #tpu.memory_space<vmem_shared>> -> memref<640xf32, #tpu.memory_space<vmem_shared>>
      %dma_wait3A_74 = tpu.memref_slice %arg4[%mul3A_2] : memref<10240xf32, #tpu.memory_space<hbm>> -> memref<640xf32, #tpu.memory_space<hbm>>
      tpu.wait_dma2 semaphore(%run_scoped3A : memref<!tpu.dma_semaphore, #tpu.memory_space<semaphore_mem>>) src(%dma_wait3A_74 : memref<640xf32, #tpu.memory_space<hbm>>) dst(%dma_wait3A : memref<640xf32, #tpu.memory_space<vmem_shared>>)
      tpu.yield
    }) : () -> ()
    %mul3A_5 = arith.constant 640 : i32
    %mul3A_6 = arith.muli %arg1, %mul3A_5 : i32
    %mul3A_7 = arith.constant 640 : i32
    %mul3A_8 = arith.muli %arg1, %mul3A_7 : i32
    "tpu.region"() ({
      %run_scoped3A = tpu.sem_alloc : memref<!tpu.dma_semaphore, #tpu.memory_space<semaphore_mem>>
      %dma_start3A = tpu.memref_slice %arg11[%mul3A_8] : memref<10240xf32, #tpu.memory_space<vmem_shared>> -> memref<640xf32, #tpu.memory_space<vmem_shared>>
      %dma_start3A_73 = tpu.memref_slice %arg4[%mul3A_6] : memref<10240xf32, #tpu.memory_space<hbm>> -> memref<640xf32, #tpu.memory_space<hbm>>
      tpu.enqueue_dma source(%dma_start3A_73 : memref<640xf32, #tpu.memory_space<hbm>>) target(%dma_start3A : memref<640xf32, #tpu.memory_space<vmem_shared>>) target_semaphore(%run_scoped3A : memref<!tpu.dma_semaphore, #tpu.memory_space<semaphore_mem>>)
      %dma_wait3A = tpu.memref_slice %arg11[%mul3A_8] : memref<10240xf32, #tpu.memory_space<vmem_shared>> -> memref<640xf32, #tpu.memory_space<vmem_shared>>
      %dma_wait3A_74 = tpu.memref_slice %arg4[%mul3A_6] : memref<10240xf32, #tpu.memory_space<hbm>> -> memref<640xf32, #tpu.memory_space<hbm>>
      tpu.wait_dma2 semaphore(%run_scoped3A : memref<!tpu.dma_semaphore, #tpu.memory_space<semaphore_mem>>) src(%dma_wait3A_74 : memref<640xf32, #tpu.memory_space<hbm>>) dst(%dma_wait3A : memref<640xf32, #tpu.memory_space<vmem_shared>>)
      tpu.yield
    }) : () -> ()
    %mul3A_9 = arith.constant 80 : i32
    %mul3A_10 = arith.muli %add3A, %mul3A_9 : i32
    "tpu.region"() ({
      %run_scoped3A = tpu.sem_alloc : memref<!tpu.dma_semaphore, #tpu.memory_space<semaphore_mem>>
      %dma_start3A = arith.constant 0 : i32
      %dma_start3A_73 = tpu.memref_slice %arg2[%mul3A_10, %dma_start3A] : memref<2560x128xi32, #tpu.memory_space<hbm>> -> memref<80x128xi32, #tpu.memory_space<hbm>>
      %dma_start3A_74 = arith.constant 0 : i32
      %dma_start3A_75 = tpu.memref_slice %arg2[%mul3A_10, %dma_start3A_74] : memref<2560x128xi32, #tpu.memory_space<hbm>> -> memref<80x128xi32, #tpu.memory_space<hbm>>
      tpu.enqueue_dma source(%dma_start3A_75 : memref<80x128xi32, #tpu.memory_space<hbm>>) target(%arg7 : memref<80x128xi32, #tpu.memory_space<vmem>>) target_semaphore(%run_scoped3A : memref<!tpu.dma_semaphore, #tpu.memory_space<semaphore_mem>>)
      %dma_wait3A = arith.constant 0 : i32
      %dma_wait3A_76 = tpu.memref_slice %arg2[%mul3A_10, %dma_wait3A] : memref<2560x128xi32, #tpu.memory_space<hbm>> -> memref<80x128xi32, #tpu.memory_space<hbm>>
      %dma_wait3A_77 = arith.constant 0 : i32
      %dma_wait3A_78 = tpu.memref_slice %arg2[%mul3A_10, %dma_wait3A_77] : memref<2560x128xi32, #tpu.memory_space<hbm>> -> memref<80x128xi32, #tpu.memory_space<hbm>>
      tpu.wait_dma2 semaphore(%run_scoped3A : memref<!tpu.dma_semaphore, #tpu.memory_space<semaphore_mem>>) src(%dma_wait3A_78 : memref<80x128xi32, #tpu.memory_space<hbm>>) dst(%arg7 : memref<80x128xi32, #tpu.memory_space<vmem>>)
      tpu.yield
    }) : () -> ()
    %mul3A_11 = arith.constant 80 : i32
    %mul3A_12 = arith.muli %add3A, %mul3A_11 : i32
    "tpu.region"() ({
      %run_scoped3A = tpu.sem_alloc : memref<!tpu.dma_semaphore, #tpu.memory_space<semaphore_mem>>
      %dma_start3A = arith.constant 0 : i32
      %dma_start3A_73 = tpu.memref_slice %arg3[%mul3A_12, %dma_start3A] : memref<2560x128xi32, #tpu.memory_space<hbm>> -> memref<80x128xi32, #tpu.memory_space<hbm>>
      %dma_start3A_74 = arith.constant 0 : i32
      %dma_start3A_75 = tpu.memref_slice %arg3[%mul3A_12, %dma_start3A_74] : memref<2560x128xi32, #tpu.memory_space<hbm>> -> memref<80x128xi32, #tpu.memory_space<hbm>>
      tpu.enqueue_dma source(%dma_start3A_75 : memref<80x128xi32, #tpu.memory_space<hbm>>) target(%arg8 : memref<80x128xi32, #tpu.memory_space<vmem>>) target_semaphore(%run_scoped3A : memref<!tpu.dma_semaphore, #tpu.memory_space<semaphore_mem>>)
      %dma_wait3A = arith.constant 0 : i32
      %dma_wait3A_76 = tpu.memref_slice %arg3[%mul3A_12, %dma_wait3A] : memref<2560x128xi32, #tpu.memory_space<hbm>> -> memref<80x128xi32, #tpu.memory_space<hbm>>
      %dma_wait3A_77 = arith.constant 0 : i32
      %dma_wait3A_78 = tpu.memref_slice %arg3[%mul3A_12, %dma_wait3A_77] : memref<2560x128xi32, #tpu.memory_space<hbm>> -> memref<80x128xi32, #tpu.memory_space<hbm>>
      tpu.wait_dma2 semaphore(%run_scoped3A : memref<!tpu.dma_semaphore, #tpu.memory_space<semaphore_mem>>) src(%dma_wait3A_78 : memref<80x128xi32, #tpu.memory_space<hbm>>) dst(%arg8 : memref<80x128xi32, #tpu.memory_space<vmem>>)
      tpu.yield
    }) : () -> ()
    %broadcast_in_dim3A = arith.constant 1.000000e+00 : f32
    %broadcast_in_dim3A_13 = vector.broadcast %broadcast_in_dim3A : f32 to vector<16xf32>
    %swap3A = arith.constant 0 : index
    %swap3A_14 = tpu.vector_load %arg9[%swap3A] {strides = array<i32>} : memref<128xf32, #tpu.memory_space<vmem>>, vector<16xf32>,
    %swap3A_15 = vector.shape_cast %swap3A_14 : vector<16xf32> to vector<16xf32>
    %swap3A_16 = vector.shape_cast %broadcast_in_dim3A_13 : vector<16xf32> to vector<16xf32>
    tpu.vector_store %arg9[%swap3A], %swap3A_16 {strides = array<i32>} : memref<128xf32, #tpu.memory_space<vmem>>, vector<16xf32>,
    %broadcast_in_dim3A_17 = arith.constant 1.000000e+00 : f32
    %broadcast_in_dim3A_18 = vector.broadcast %broadcast_in_dim3A_17 : f32 to vector<16xf32>
    %swap3A_19 = arith.constant 16 : index
    %swap3A_20 = tpu.vector_load %arg9[%swap3A_19] {strides = array<i32>} : memref<128xf32, #tpu.memory_space<vmem>>, vector<16xf32>,
    %swap3A_21 = vector.shape_cast %swap3A_20 : vector<16xf32> to vector<16xf32>
    %swap3A_22 = vector.shape_cast %broadcast_in_dim3A_18 : vector<16xf32> to vector<16xf32>
    tpu.vector_store %arg9[%swap3A_19], %swap3A_22 {strides = array<i32>} : memref<128xf32, #tpu.memory_space<vmem>>, vector<16xf32>,
    %broadcast_in_dim3A_23 = arith.constant 1.000000e+00 : f32
    %broadcast_in_dim3A_24 = vector.broadcast %broadcast_in_dim3A_23 : f32 to vector<16xf32>
    %swap3A_25 = arith.constant 32 : index
    %swap3A_26 = tpu.vector_load %arg9[%swap3A_25] {strides = array<i32>} : memref<128xf32, #tpu.memory_space<vmem>>, vector<16xf32>,
    %swap3A_27 = vector.shape_cast %swap3A_26 : vector<16xf32> to vector<16xf32>
    %swap3A_28 = vector.shape_cast %broadcast_in_dim3A_24 : vector<16xf32> to vector<16xf32>
    tpu.vector_store %arg9[%swap3A_25], %swap3A_28 {strides = array<i32>} : memref<128xf32, #tpu.memory_space<vmem>>, vector<16xf32>,
    %broadcast_in_dim3A_29 = arith.constant 1.000000e+00 : f32
    %broadcast_in_dim3A_30 = vector.broadcast %broadcast_in_dim3A_29 : f32 to vector<16xf32>
    %swap3A_31 = arith.constant 48 : index
    %swap3A_32 = tpu.vector_load %arg9[%swap3A_31] {strides = array<i32>} : memref<128xf32, #tpu.memory_space<vmem>>, vector<16xf32>,
    %swap3A_33 = vector.shape_cast %swap3A_32 : vector<16xf32> to vector<16xf32>
    %swap3A_34 = vector.shape_cast %broadcast_in_dim3A_30 : vector<16xf32> to vector<16xf32>
    tpu.vector_store %arg9[%swap3A_31], %swap3A_34 {strides = array<i32>} : memref<128xf32, #tpu.memory_space<vmem>>, vector<16xf32>,
    %broadcast_in_dim3A_35 = arith.constant 1.000000e+00 : f32
    %broadcast_in_dim3A_36 = vector.broadcast %broadcast_in_dim3A_35 : f32 to vector<16xf32>
    %swap3A_37 = arith.constant 64 : index
    %swap3A_38 = tpu.vector_load %arg9[%swap3A_37] {strides = array<i32>} : memref<128xf32, #tpu.memory_space<vmem>>, vector<16xf32>,
    %swap3A_39 = vector.shape_cast %swap3A_38 : vector<16xf32> to vector<16xf32>
    %swap3A_40 = vector.shape_cast %broadcast_in_dim3A_36 : vector<16xf32> to vector<16xf32>
    tpu.vector_store %arg9[%swap3A_37], %swap3A_40 {strides = array<i32>} : memref<128xf32, #tpu.memory_space<vmem>>, vector<16xf32>,
    %broadcast_in_dim3A_41 = arith.constant 1.000000e+00 : f32
    %broadcast_in_dim3A_42 = vector.broadcast %broadcast_in_dim3A_41 : f32 to vector<16xf32>
    %swap3A_43 = arith.constant 80 : index
    %swap3A_44 = tpu.vector_load %arg9[%swap3A_43] {strides = array<i32>} : memref<128xf32, #tpu.memory_space<vmem>>, vector<16xf32>,
    %swap3A_45 = vector.shape_cast %swap3A_44 : vector<16xf32> to vector<16xf32>
    %swap3A_46 = vector.shape_cast %broadcast_in_dim3A_42 : vector<16xf32> to vector<16xf32>
    tpu.vector_store %arg9[%swap3A_43], %swap3A_46 {strides = array<i32>} : memref<128xf32, #tpu.memory_space<vmem>>, vector<16xf32>,
    %broadcast_in_dim3A_47 = arith.constant 1.000000e+00 : f32
    %broadcast_in_dim3A_48 = vector.broadcast %broadcast_in_dim3A_47 : f32 to vector<16xf32>
    %swap3A_49 = arith.constant 96 : index
    %swap3A_50 = tpu.vector_load %arg9[%swap3A_49] {strides = array<i32>} : memref<128xf32, #tpu.memory_space<vmem>>, vector<16xf32>,
    %swap3A_51 = vector.shape_cast %swap3A_50 : vector<16xf32> to vector<16xf32>
    %swap3A_52 = vector.shape_cast %broadcast_in_dim3A_48 : vector<16xf32> to vector<16xf32>
    tpu.vector_store %arg9[%swap3A_49], %swap3A_52 {strides = array<i32>} : memref<128xf32, #tpu.memory_space<vmem>>, vector<16xf32>,
    %broadcast_in_dim3A_53 = arith.constant 1.000000e+00 : f32
    %broadcast_in_dim3A_54 = vector.broadcast %broadcast_in_dim3A_53 : f32 to vector<16xf32>
    %swap3A_55 = arith.constant 112 : index
    %swap3A_56 = tpu.vector_load %arg9[%swap3A_55] {strides = array<i32>} : memref<128xf32, #tpu.memory_space<vmem>>, vector<16xf32>,
    %swap3A_57 = vector.shape_cast %swap3A_56 : vector<16xf32> to vector<16xf32>
    %swap3A_58 = vector.shape_cast %broadcast_in_dim3A_54 : vector<16xf32> to vector<16xf32>
    tpu.vector_store %arg9[%swap3A_55], %swap3A_58 {strides = array<i32>} : memref<128xf32, #tpu.memory_space<vmem>>, vector<16xf32>,
    %barrier3A = arith.constant 0 : index
    tpu.barrier barrier_id(%barrier3A)
    %scan3A = arith.constant 0 : i32
    %scan3A_59 = arith.constant 0 : i32
    %scan3A_60 = arith.constant 80 : i32
    %scan3A_61 = arith.addi %scan3A_59, %scan3A_60 : i32
    %scan3A_62 = arith.constant 1 : i32
    scf.for %scan3A_73 = %scan3A_59 to %scan3A_61 step %scan3A_62  : i32 {
      "tpu.region"() ({
        %run_scoped3A = tpu.sem_alloc : memref<!tpu.dma_semaphore, #tpu.memory_space<semaphore_mem>>
        %dma_start3A = arith.constant 0 : i32
        %dma_start3A_74 = tpu.memref_slice %arg7[%scan3A_73, %dma_start3A] : memref<80x128xi32, #tpu.memory_space<vmem>> -> memref<1x128xi32, #tpu.memory_space<vmem>>
        %dma_start3A_75 = tpu.memref_squeeze %dma_start3A_74 : memref<1x128xi32, #tpu.memory_space<vmem>> -> memref<128xi32, #tpu.memory_space<vmem>>
        %dma_start3A_76 = arith.constant 0 : i32
        %dma_start3A_77 = tpu.memref_slice %arg10[%dma_start3A_76] : memref<10240xf32, #tpu.memory_space<vmem_shared>> -> memref<10240xf32, #tpu.memory_space<vmem_shared>>
        tpu.enqueue_indirect_dma source(%arg9 : memref<128xf32, #tpu.memory_space<vmem>>) target(%dma_start3A_77 : memref<10240xf32, #tpu.memory_space<vmem_shared>>) offsets(%dma_start3A_75 : memref<128xi32, #tpu.memory_space<vmem>>) semaphore(%run_scoped3A : memref<!tpu.dma_semaphore, #tpu.memory_space<semaphore_mem>>) {add = true}
        %dma_wait3A = arith.constant 0 : i32
        %dma_wait3A_78 = tpu.memref_slice %arg7[%scan3A_73, %dma_wait3A] : memref<80x128xi32, #tpu.memory_space<vmem>> -> memref<1x128xi32, #tpu.memory_space<vmem>>
        %dma_wait3A_79 = tpu.memref_squeeze %dma_wait3A_78 : memref<1x128xi32, #tpu.memory_space<vmem>> -> memref<128xi32, #tpu.memory_space<vmem>>
        %dma_wait3A_80 = arith.constant 0 : i32
        %dma_wait3A_81 = tpu.memref_slice %arg10[%dma_wait3A_80] : memref<10240xf32, #tpu.memory_space<vmem_shared>> -> memref<10240xf32, #tpu.memory_space<vmem_shared>>
        tpu.wait_indirect_dma semaphore(%run_scoped3A : memref<!tpu.dma_semaphore, #tpu.memory_space<semaphore_mem>>) src(%arg9 : memref<128xf32, #tpu.memory_space<vmem>>) dst(%dma_wait3A_81 : memref<10240xf32, #tpu.memory_space<vmem_shared>>)
        tpu.yield
      }) : () -> ()
      "tpu.region"() ({
        %run_scoped3A = tpu.sem_alloc : memref<!tpu.dma_semaphore, #tpu.memory_space<semaphore_mem>>
        %dma_start3A = arith.constant 0 : i32
        %dma_start3A_74 = tpu.memref_slice %arg8[%scan3A_73, %dma_start3A] : memref<80x128xi32, #tpu.memory_space<vmem>> -> memref<1x128xi32, #tpu.memory_space<vmem>>
        %dma_start3A_75 = tpu.memref_squeeze %dma_start3A_74 : memref<1x128xi32, #tpu.memory_space<vmem>> -> memref<128xi32, #tpu.memory_space<vmem>>
        %dma_start3A_76 = arith.constant 0 : i32
        %dma_start3A_77 = tpu.memref_slice %arg11[%dma_start3A_76] : memref<10240xf32, #tpu.memory_space<vmem_shared>> -> memref<10240xf32, #tpu.memory_space<vmem_shared>>
        tpu.enqueue_indirect_dma source(%arg9 : memref<128xf32, #tpu.memory_space<vmem>>) target(%dma_start3A_77 : memref<10240xf32, #tpu.memory_space<vmem_shared>>) offsets(%dma_start3A_75 : memref<128xi32, #tpu.memory_space<vmem>>) semaphore(%run_scoped3A : memref<!tpu.dma_semaphore, #tpu.memory_space<semaphore_mem>>) {add = true}
        %dma_wait3A = arith.constant 0 : i32
        %dma_wait3A_78 = tpu.memref_slice %arg8[%scan3A_73, %dma_wait3A] : memref<80x128xi32, #tpu.memory_space<vmem>> -> memref<1x128xi32, #tpu.memory_space<vmem>>
        %dma_wait3A_79 = tpu.memref_squeeze %dma_wait3A_78 : memref<1x128xi32, #tpu.memory_space<vmem>> -> memref<128xi32, #tpu.memory_space<vmem>>
        %dma_wait3A_80 = arith.constant 0 : i32
        %dma_wait3A_81 = tpu.memref_slice %arg11[%dma_wait3A_80] : memref<10240xf32, #tpu.memory_space<vmem_shared>> -> memref<10240xf32, #tpu.memory_space<vmem_shared>>
        tpu.wait_indirect_dma semaphore(%run_scoped3A : memref<!tpu.dma_semaphore, #tpu.memory_space<semaphore_mem>>) src(%arg9 : memref<128xf32, #tpu.memory_space<vmem>>) dst(%dma_wait3A_81 : memref<10240xf32, #tpu.memory_space<vmem_shared>>)
        tpu.yield
      }) : () -> ()
    }
    %scan3A_63 = arith.constant 80 : i32
    %barrier3A_64 = arith.constant 0 : index
    tpu.barrier barrier_id(%barrier3A_64)
    %mul3A_65 = arith.constant 640 : i32
    %mul3A_66 = arith.muli %arg1, %mul3A_65 : i32
    %mul3A_67 = arith.constant 640 : i32
    %mul3A_68 = arith.muli %arg1, %mul3A_67 : i32
    "tpu.region"() ({
      %run_scoped3A = tpu.sem_alloc : memref<!tpu.dma_semaphore, #tpu.memory_space<semaphore_mem>>
      %dma_start3A = tpu.memref_slice %arg5[%arg0, %mul3A_68] : memref<2x10240xf32, #tpu.memory_space<hbm>> -> memref<1x640xf32, #tpu.memory_space<hbm>>
      %dma_start3A_73 = tpu.memref_squeeze %dma_start3A : memref<1x640xf32, #tpu.memory_space<hbm>> -> memref<640xf32, #tpu.memory_space<hbm>>
      %dma_start3A_74 = tpu.memref_slice %arg10[%mul3A_66] : memref<10240xf32, #tpu.memory_space<vmem_shared>> -> memref<640xf32, #tpu.memory_space<vmem_shared>>
      tpu.enqueue_dma source(%dma_start3A_74 : memref<640xf32, #tpu.memory_space<vmem_shared>>) target(%dma_start3A_73 : memref<640xf32, #tpu.memory_space<hbm>>) target_semaphore(%run_scoped3A : memref<!tpu.dma_semaphore, #tpu.memory_space<semaphore_mem>>)
      %dma_wait3A = tpu.memref_slice %arg5[%arg0, %mul3A_68] : memref<2x10240xf32, #tpu.memory_space<hbm>> -> memref<1x640xf32, #tpu.memory_space<hbm>>
      %dma_wait3A_75 = tpu.memref_squeeze %dma_wait3A : memref<1x640xf32, #tpu.memory_space<hbm>> -> memref<640xf32, #tpu.memory_space<hbm>>
      %dma_wait3A_76 = tpu.memref_slice %arg10[%mul3A_66] : memref<10240xf32, #tpu.memory_space<vmem_shared>> -> memref<640xf32, #tpu.memory_space<vmem_shared>>
      tpu.wait_dma2 semaphore(%run_scoped3A : memref<!tpu.dma_semaphore, #tpu.memory_space<semaphore_mem>>) src(%dma_wait3A_76 : memref<640xf32, #tpu.memory_space<vmem_shared>>) dst(%dma_wait3A_75 : memref<640xf32, #tpu.memory_space<hbm>>)
      tpu.yield
    }) : () -> ()
    %mul3A_69 = arith.constant 640 : i32
    %mul3A_70 = arith.muli %arg1, %mul3A_69 : i32
    %mul3A_71 = arith.constant 640 : i32
    %mul3A_72 = arith.muli %arg1, %mul3A_71 : i32
    "tpu.region"() ({
      %run_scoped3A = tpu.sem_alloc : memref<!tpu.dma_semaphore, #tpu.memory_space<semaphore_mem>>
      %dma_start3A = tpu.memref_slice %arg6[%arg0, %mul3A_72] : memref<2x10240xf32, #tpu.memory_space<hbm>> -> memref<1x640xf32, #tpu.memory_space<hbm>>
      %dma_start3A_73 = tpu.memref_squeeze %dma_start3A : memref<1x640xf32, #tpu.memory_space<hbm>> -> memref<640xf32, #tpu.memory_space<hbm>>
      %dma_start3A_74 = tpu.memref_slice %arg11[%mul3A_70] : memref<10240xf32, #tpu.memory_space<vmem_shared>> -> memref<640xf32, #tpu.memory_space<vmem_shared>>
      tpu.enqueue_dma source(%dma_start3A_74 : memref<640xf32, #tpu.memory_space<vmem_shared>>) target(%dma_start3A_73 : memref<640xf32, #tpu.memory_space<hbm>>) target_semaphore(%run_scoped3A : memref<!tpu.dma_semaphore, #tpu.memory_space<semaphore_mem>>)
      %dma_wait3A = tpu.memref_slice %arg6[%arg0, %mul3A_72] : memref<2x10240xf32, #tpu.memory_space<hbm>> -> memref<1x640xf32, #tpu.memory_space<hbm>>
      %dma_wait3A_75 = tpu.memref_squeeze %dma_wait3A : memref<1x640xf32, #tpu.memory_space<hbm>> -> memref<640xf32, #tpu.memory_space<hbm>>
      %dma_wait3A_76 = tpu.memref_slice %arg11[%mul3A_70] : memref<10240xf32, #tpu.memory_space<vmem_shared>> -> memref<640xf32, #tpu.memory_space<vmem_shared>>
      tpu.wait_dma2 semaphore(%run_scoped3A : memref<!tpu.dma_semaphore, #tpu.memory_space<semaphore_mem>>) src(%dma_wait3A_76 : memref<640xf32, #tpu.memory_space<vmem_shared>>) dst(%dma_wait3A_75 : memref<640xf32, #tpu.memory_space<hbm>>)
      tpu.yield
    }) : () -> ()
    return
  }
}

module attributes {stable_mosaic.version = 14 : i64} {
  func.func @body(%arg0: i32, %arg1: memref<1024x128xf32, #tpu.memory_space<vmem>>, %arg2: memref<1024x4xf32, #tpu.memory_space<vmem>>, %arg3: memref<2x1024x64xf32, #tpu.memory_space<vmem>>, %arg4: memref<1024x1xf32, #tpu.memory_space<vmem>>, %arg5: memref<1024x1xf32, #tpu.memory_space<vmem>>) attributes {dimension_semantics = [#tpu.dimension_semantics<arbitrary>], iteration_bounds = array<i64: 10>, scalar_prefetch = 0 : i64, scratch_operands = 0 : i64, tpu.core_type = #tpu.core_type<tc>, window_params = [{transform_indices = @transform_0, window_bounds = array<i64: 1024, 128>}, {transform_indices = @transform_1, window_bounds = array<i64: 1024, 4>}, {transform_indices = @transform_2, window_bounds = array<i64: 2, 1024, 64>}, {transform_indices = @transform_3, window_bounds = array<i64: 1024, 1>}, {transform_indices = @transform_4, window_bounds = array<i64: 1024, 1>}]} {
    %get3A = arith.constant 0 : index
    %get3A_0 = arith.constant 0 : index
    %get3A_1 = vector.load %arg2[%get3A, %get3A_0] : memref<1024x4xf32, #tpu.memory_space<vmem>>, vector<1024x4xf32>
    %slice3A = vector.extract_strided_slice %get3A_1 {offsets = [0, 0], sizes = [1024, 1], strides = [1, 1]} : vector<1024x4xf32> to vector<1024x1xf32>
    %slice3A_2 = vector.extract_strided_slice %get3A_1 {offsets = [0, 1], sizes = [1024, 1], strides = [1, 1]} : vector<1024x4xf32> to vector<1024x1xf32>
    %add3A = arith.addf %slice3A, %slice3A_2 : vector<1024x1xf32>
    %jit3A = arith.constant 1.000000e+00 : f32
    %max3A = vector.broadcast %jit3A : f32 to vector<1024x1xf32>
    %max3A_3 = arith.maximumf %max3A, %add3A : vector<1024x1xf32>
    %rsqrt3A = math.rsqrt %max3A_3 : vector<1024x1xf32>
    %slice3A_4 = vector.extract_strided_slice %get3A_1 {offsets = [0, 2], sizes = [1024, 1], strides = [1, 1]} : vector<1024x4xf32> to vector<1024x1xf32>
    %slice3A_5 = vector.extract_strided_slice %get3A_1 {offsets = [0, 3], sizes = [1024, 1], strides = [1, 1]} : vector<1024x4xf32> to vector<1024x1xf32>
    %add3A_6 = arith.addf %slice3A_4, %slice3A_5 : vector<1024x1xf32>
    %jit3A_7 = arith.constant 1.000000e+00 : f32
    %max3A_8 = vector.broadcast %jit3A_7 : f32 to vector<1024x1xf32>
    %max3A_9 = arith.maximumf %max3A_8, %add3A_6 : vector<1024x1xf32>
    %rsqrt3A_10 = math.rsqrt %max3A_9 : vector<1024x1xf32>
    %get3A_11 = arith.constant 0 : index
    %get3A_12 = arith.constant 0 : index
    %get3A_13 = vector.load %arg1[%get3A_11, %get3A_12] : memref<1024x128xf32, #tpu.memory_space<vmem>>, vector<1024x128xf32>
    %mul3A = vector.broadcast %rsqrt3A : vector<1024x1xf32> to vector<1024x128xf32>
    %mul3A_14 = arith.mulf %get3A_13, %mul3A : vector<1024x128xf32>
    %slice3A_15 = vector.extract_strided_slice %mul3A_14 {offsets = [0, 0], sizes = [1024, 64], strides = [1, 1]} : vector<1024x128xf32> to vector<1024x64xf32>
    %swap3A = arith.constant 0 : index
    %swap3A_16 = arith.constant 0 : index
    %swap3A_17 = arith.constant 0 : index
    %swap3A_18 = vector.load %arg3[%swap3A, %swap3A_16, %swap3A_17] : memref<2x1024x64xf32, #tpu.memory_space<vmem>>, vector<1x1024x64xf32>
    %swap3A_19 = vector.shape_cast %swap3A_18 : vector<1x1024x64xf32> to vector<1024x64xf32>
    %swap3A_20 = vector.shape_cast %slice3A_15 : vector<1024x64xf32> to vector<1x1024x64xf32>
    tpu.vector_store %arg3[%swap3A, %swap3A_16, %swap3A_17], %swap3A_20 {strides = array<i32>} : memref<2x1024x64xf32, #tpu.memory_space<vmem>>, vector<1x1024x64xf32>,
    %slice3A_21 = vector.extract_strided_slice %mul3A_14 {offsets = [0, 64], sizes = [1024, 64], strides = [1, 1]} : vector<1024x128xf32> to vector<1024x64xf32>
    %swap3A_22 = arith.constant 1 : index
    %swap3A_23 = arith.constant 0 : index
    %swap3A_24 = arith.constant 0 : index
    %swap3A_25 = vector.load %arg3[%swap3A_22, %swap3A_23, %swap3A_24] : memref<2x1024x64xf32, #tpu.memory_space<vmem>>, vector<1x1024x64xf32>
    %swap3A_26 = vector.shape_cast %swap3A_25 : vector<1x1024x64xf32> to vector<1024x64xf32>
    %swap3A_27 = vector.shape_cast %slice3A_21 : vector<1024x64xf32> to vector<1x1024x64xf32>
    tpu.vector_store %arg3[%swap3A_22, %swap3A_23, %swap3A_24], %swap3A_27 {strides = array<i32>} : memref<2x1024x64xf32, #tpu.memory_space<vmem>>, vector<1x1024x64xf32>,
    %swap3A_28 = arith.constant 0 : index
    %swap3A_29 = arith.constant 0 : index
    %swap3A_30 = vector.load %arg4[%swap3A_28, %swap3A_29] : memref<1024x1xf32, #tpu.memory_space<vmem>>, vector<1024x1xf32>
    tpu.vector_store %arg4[%swap3A_28, %swap3A_29], %rsqrt3A {strides = array<i32>} : memref<1024x1xf32, #tpu.memory_space<vmem>>, vector<1024x1xf32>,
    %swap3A_31 = arith.constant 0 : index
    %swap3A_32 = arith.constant 0 : index
    %swap3A_33 = vector.load %arg5[%swap3A_31, %swap3A_32] : memref<1024x1xf32, #tpu.memory_space<vmem>>, vector<1024x1xf32>
    tpu.vector_store %arg5[%swap3A_31, %swap3A_32], %rsqrt3A_10 {strides = array<i32>} : memref<1024x1xf32, #tpu.memory_space<vmem>>, vector<1024x1xf32>,
    return
  }
  func.func @transform_0(%arg0: i32) -> (i32, i32) {
    %c0_i32 = arith.constant 0 : i32
    %c0_i32_0 = arith.constant 0 : i32
    return %arg0, %c0_i32 : i32, i32
  }
  func.func @transform_1(%arg0: i32) -> (i32, i32) {
    %c0_i32 = arith.constant 0 : i32
    %c0_i32_0 = arith.constant 0 : i32
    return %arg0, %c0_i32 : i32, i32
  }
  func.func @transform_2(%arg0: i32) -> (i32, i32, i32) {
    %c0_i32 = arith.constant 0 : i32
    %c0_i32_0 = arith.constant 0 : i32
    %c0_i32_1 = arith.constant 0 : i32
    return %c0_i32, %arg0, %c0_i32_0 : i32, i32, i32
  }
  func.func @transform_3(%arg0: i32) -> (i32, i32) {
    %c0_i32 = arith.constant 0 : i32
    %c0_i32_0 = arith.constant 0 : i32
    return %arg0, %c0_i32 : i32, i32
  }
  func.func @transform_4(%arg0: i32) -> (i32, i32) {
    %c0_i32 = arith.constant 0 : i32
    %c0_i32_0 = arith.constant 0 : i32
    return %arg0, %c0_i32 : i32, i32
  }
}

module attributes {stable_mosaic.version = 14 : i64} {
  func.func @body(%arg0: i32, %arg1: memref<1x1024x64xf32, #tpu.memory_space<vmem>>, %arg2: memref<1x1024x64xf32, #tpu.memory_space<vmem>>, %arg3: memref<1024x1xf32, #tpu.memory_space<vmem>>, %arg4: memref<1024x1xf32, #tpu.memory_space<vmem>>, %arg5: memref<128x128xf32, #tpu.memory_space<vmem>>, %arg6: memref<1x128xf32, #tpu.memory_space<vmem>>, %arg7: memref<128x64xf32, #tpu.memory_space<vmem>>, %arg8: memref<2x1024x32xf32, #tpu.memory_space<vmem>>) attributes {dimension_semantics = [#tpu.dimension_semantics<arbitrary>], iteration_bounds = array<i64: 10>, scalar_prefetch = 0 : i64, scratch_operands = 0 : i64, tpu.core_type = #tpu.core_type<tc>, window_params = [{transform_indices = @transform_0, window_bounds = array<i64: 1, 1024, 64>}, {transform_indices = @transform_1, window_bounds = array<i64: 1, 1024, 64>}, {transform_indices = @transform_2, window_bounds = array<i64: 1024, 1>}, {transform_indices = @transform_3, window_bounds = array<i64: 1024, 1>}, {pipeline_mode = #tpu.pipeline_mode<synchronous>, transform_indices = @transform_4, window_bounds = array<i64: 128, 128>}, {pipeline_mode = #tpu.pipeline_mode<synchronous>, transform_indices = @transform_5, window_bounds = array<i64: 1, 128>}, {pipeline_mode = #tpu.pipeline_mode<synchronous>, transform_indices = @transform_6, window_bounds = array<i64: 128, 64>}, {transform_indices = @transform_7, window_bounds = array<i64: 2, 1024, 32>}]} {
    %get3A = arith.constant 0 : index
    %get3A_0 = arith.constant 0 : index
    %get3A_1 = arith.constant 0 : index
    %get3A_2 = vector.load %arg1[%get3A, %get3A_0, %get3A_1] : memref<1x1024x64xf32, #tpu.memory_space<vmem>>, vector<1x1024x64xf32>
    %get3A_3 = vector.shape_cast %get3A_2 : vector<1x1024x64xf32> to vector<1024x64xf32>
    %get3A_4 = arith.constant 0 : index
    %get3A_5 = arith.constant 0 : index
    %get3A_6 = arith.constant 0 : index
    %get3A_7 = vector.load %arg2[%get3A_4, %get3A_5, %get3A_6] : memref<1x1024x64xf32, #tpu.memory_space<vmem>>, vector<1x1024x64xf32>
    %get3A_8 = vector.shape_cast %get3A_7 : vector<1x1024x64xf32> to vector<1024x64xf32>
    %concatenate3A = tpu.concatenate %get3A_3, %get3A_8 in 1 : vector<1024x64xf32>, vector<1024x64xf32> -> vector<1024x128xf32>
    %get3A_9 = arith.constant 0 : index
    %get3A_10 = arith.constant 0 : index
    %get3A_11 = vector.load %arg3[%get3A_9, %get3A_10] : memref<1024x1xf32, #tpu.memory_space<vmem>>, vector<1024x1xf32>
    %mul3A = vector.broadcast %get3A_11 : vector<1024x1xf32> to vector<1024x128xf32>
    %mul3A_12 = arith.mulf %concatenate3A, %mul3A : vector<1024x128xf32>
    %get3A_13 = arith.constant 0 : index
    %get3A_14 = arith.constant 0 : index
    %get3A_15 = vector.load %arg5[%get3A_13, %get3A_14] : memref<128x128xf32, #tpu.memory_space<vmem>>, vector<128x128xf32>
    %dot_general3A = arith.constant dense<0.000000e+00> : vector<1024x128xf32>
    %dot_general3A_16 = tpu.matmul %mul3A_12, %get3A_15, %dot_general3A {dimension_numbers = #tpu.dot_dimension_numbers<[1], [0], [0], [1], [0, 0, 1, 1], [], []>, transpose_lhs_hint = false} : vector<1024x128xf32>, vector<128x128xf32>, vector<1024x128xf32> -> vector<1024x128xf32>
    %get3A_17 = arith.constant 0 : index
    %get3A_18 = arith.constant 0 : index
    %get3A_19 = vector.load %arg6[%get3A_17, %get3A_18] : memref<1x128xf32, #tpu.memory_space<vmem>>, vector<1x128xf32>
    %add3A = vector.broadcast %get3A_19 : vector<1x128xf32> to vector<1024x128xf32>
    %add3A_20 = arith.addf %dot_general3A_16, %add3A : vector<1024x128xf32>
    %max3A = arith.constant 0.000000e+00 : f32
    %max3A_21 = vector.broadcast %max3A : f32 to vector<1024x128xf32>
    %max3A_22 = arith.maximumf %add3A_20, %max3A_21 : vector<1024x128xf32>
    %get3A_23 = arith.constant 0 : index
    %get3A_24 = arith.constant 0 : index
    %get3A_25 = vector.load %arg4[%get3A_23, %get3A_24] : memref<1024x1xf32, #tpu.memory_space<vmem>>, vector<1024x1xf32>
    %mul3A_26 = vector.broadcast %get3A_25 : vector<1024x1xf32> to vector<1024x128xf32>
    %mul3A_27 = arith.mulf %max3A_22, %mul3A_26 : vector<1024x128xf32>
    %get3A_28 = arith.constant 0 : index
    %get3A_29 = arith.constant 0 : index
    %get3A_30 = vector.load %arg7[%get3A_28, %get3A_29] : memref<128x64xf32, #tpu.memory_space<vmem>>, vector<128x64xf32>
    %dot_general3A_31 = arith.constant dense<0.000000e+00> : vector<1024x64xf32>
    %dot_general3A_32 = tpu.matmul %mul3A_27, %get3A_30, %dot_general3A_31 {dimension_numbers = #tpu.dot_dimension_numbers<[1], [0], [0], [1], [0, 0, 1, 1], [], []>, transpose_lhs_hint = false} : vector<1024x128xf32>, vector<128x64xf32>, vector<1024x64xf32> -> vector<1024x64xf32>
    %slice3A = vector.extract_strided_slice %dot_general3A_32 {offsets = [0, 0], sizes = [1024, 32], strides = [1, 1]} : vector<1024x64xf32> to vector<1024x32xf32>
    %swap3A = arith.constant 0 : index
    %swap3A_33 = arith.constant 0 : index
    %swap3A_34 = arith.constant 0 : index
    %swap3A_35 = vector.load %arg8[%swap3A, %swap3A_33, %swap3A_34] : memref<2x1024x32xf32, #tpu.memory_space<vmem>>, vector<1x1024x32xf32>
    %swap3A_36 = vector.shape_cast %swap3A_35 : vector<1x1024x32xf32> to vector<1024x32xf32>
    %swap3A_37 = vector.shape_cast %slice3A : vector<1024x32xf32> to vector<1x1024x32xf32>
    tpu.vector_store %arg8[%swap3A, %swap3A_33, %swap3A_34], %swap3A_37 {strides = array<i32>} : memref<2x1024x32xf32, #tpu.memory_space<vmem>>, vector<1x1024x32xf32>,
    %slice3A_38 = vector.extract_strided_slice %dot_general3A_32 {offsets = [0, 32], sizes = [1024, 32], strides = [1, 1]} : vector<1024x64xf32> to vector<1024x32xf32>
    %swap3A_39 = arith.constant 1 : index
    %swap3A_40 = arith.constant 0 : index
    %swap3A_41 = arith.constant 0 : index
    %swap3A_42 = vector.load %arg8[%swap3A_39, %swap3A_40, %swap3A_41] : memref<2x1024x32xf32, #tpu.memory_space<vmem>>, vector<1x1024x32xf32>
    %swap3A_43 = vector.shape_cast %swap3A_42 : vector<1x1024x32xf32> to vector<1024x32xf32>
    %swap3A_44 = vector.shape_cast %slice3A_38 : vector<1024x32xf32> to vector<1x1024x32xf32>
    tpu.vector_store %arg8[%swap3A_39, %swap3A_40, %swap3A_41], %swap3A_44 {strides = array<i32>} : memref<2x1024x32xf32, #tpu.memory_space<vmem>>, vector<1x1024x32xf32>,
    return
  }
  func.func @transform_0(%arg0: i32) -> (i32, i32, i32) {
    %c0_i32 = arith.constant 0 : i32
    %c0_i32_0 = arith.constant 0 : i32
    %c0_i32_1 = arith.constant 0 : i32
    return %c0_i32, %arg0, %c0_i32_0 : i32, i32, i32
  }
  func.func @transform_1(%arg0: i32) -> (i32, i32, i32) {
    %c1_i32 = arith.constant 1 : i32
    %c0_i32 = arith.constant 0 : i32
    %c0_i32_0 = arith.constant 0 : i32
    return %c1_i32, %arg0, %c0_i32 : i32, i32, i32
  }
  func.func @transform_2(%arg0: i32) -> (i32, i32) {
    %c0_i32 = arith.constant 0 : i32
    %c0_i32_0 = arith.constant 0 : i32
    return %arg0, %c0_i32 : i32, i32
  }
  func.func @transform_3(%arg0: i32) -> (i32, i32) {
    %c0_i32 = arith.constant 0 : i32
    %c0_i32_0 = arith.constant 0 : i32
    return %arg0, %c0_i32 : i32, i32
  }
  func.func @transform_4(%arg0: i32) -> (i32, i32) {
    %c0_i32 = arith.constant 0 : i32
    %c0_i32_0 = arith.constant 0 : i32
    %c0_i32_1 = arith.constant 0 : i32
    return %c0_i32, %c0_i32_0 : i32, i32
  }
  func.func @transform_5(%arg0: i32) -> (i32, i32) {
    %c0_i32 = arith.constant 0 : i32
    %c0_i32_0 = arith.constant 0 : i32
    %c0_i32_1 = arith.constant 0 : i32
    return %c0_i32, %c0_i32_0 : i32, i32
  }
  func.func @transform_6(%arg0: i32) -> (i32, i32) {
    %c0_i32 = arith.constant 0 : i32
    %c0_i32_0 = arith.constant 0 : i32
    %c0_i32_1 = arith.constant 0 : i32
    return %c0_i32, %c0_i32_0 : i32, i32
  }
  func.func @transform_7(%arg0: i32) -> (i32, i32, i32) {
    %c0_i32 = arith.constant 0 : i32
    %c0_i32_0 = arith.constant 0 : i32
    %c0_i32_1 = arith.constant 0 : i32
    return %c0_i32, %arg0, %c0_i32_0 : i32, i32, i32
  }
}

module attributes {stable_mosaic.version = 14 : i64} {
  func.func @body(%arg0: i32, %arg1: memref<1x1024x32xf32, #tpu.memory_space<vmem>>, %arg2: memref<1x1024x32xf32, #tpu.memory_space<vmem>>, %arg3: memref<1024x1xf32, #tpu.memory_space<vmem>>, %arg4: memref<1x64xf32, #tpu.memory_space<vmem>>, %arg5: memref<1024x64xf32, #tpu.memory_space<vmem>>) attributes {dimension_semantics = [#tpu.dimension_semantics<arbitrary>], iteration_bounds = array<i64: 10>, scalar_prefetch = 0 : i64, scratch_operands = 0 : i64, tpu.core_type = #tpu.core_type<tc>, window_params = [{transform_indices = @transform_0, window_bounds = array<i64: 1, 1024, 32>}, {transform_indices = @transform_1, window_bounds = array<i64: 1, 1024, 32>}, {transform_indices = @transform_2, window_bounds = array<i64: 1024, 1>}, {pipeline_mode = #tpu.pipeline_mode<synchronous>, transform_indices = @transform_3, window_bounds = array<i64: 1, 64>}, {transform_indices = @transform_4, window_bounds = array<i64: 1024, 64>}]} {
    %get3A = arith.constant 0 : index
    %get3A_0 = arith.constant 0 : index
    %get3A_1 = arith.constant 0 : index
    %get3A_2 = vector.load %arg1[%get3A, %get3A_0, %get3A_1] : memref<1x1024x32xf32, #tpu.memory_space<vmem>>, vector<1x1024x32xf32>
    %get3A_3 = vector.shape_cast %get3A_2 : vector<1x1024x32xf32> to vector<1024x32xf32>
    %get3A_4 = arith.constant 0 : index
    %get3A_5 = arith.constant 0 : index
    %get3A_6 = arith.constant 0 : index
    %get3A_7 = vector.load %arg2[%get3A_4, %get3A_5, %get3A_6] : memref<1x1024x32xf32, #tpu.memory_space<vmem>>, vector<1x1024x32xf32>
    %get3A_8 = vector.shape_cast %get3A_7 : vector<1x1024x32xf32> to vector<1024x32xf32>
    %concatenate3A = tpu.concatenate %get3A_3, %get3A_8 in 1 : vector<1024x32xf32>, vector<1024x32xf32> -> vector<1024x64xf32>
    %get3A_9 = arith.constant 0 : index
    %get3A_10 = arith.constant 0 : index
    %get3A_11 = vector.load %arg3[%get3A_9, %get3A_10] : memref<1024x1xf32, #tpu.memory_space<vmem>>, vector<1024x1xf32>
    %mul3A = vector.broadcast %get3A_11 : vector<1024x1xf32> to vector<1024x64xf32>
    %mul3A_12 = arith.mulf %concatenate3A, %mul3A : vector<1024x64xf32>
    %get3A_13 = arith.constant 0 : index
    %get3A_14 = arith.constant 0 : index
    %get3A_15 = vector.load %arg4[%get3A_13, %get3A_14] : memref<1x64xf32, #tpu.memory_space<vmem>>, vector<1x64xf32>
    %add3A = vector.broadcast %get3A_15 : vector<1x64xf32> to vector<1024x64xf32>
    %add3A_16 = arith.addf %mul3A_12, %add3A : vector<1024x64xf32>
    %reduce_max3A = arith.constant dense<0xFF800000> : vector<1024xf32>
    %reduce_max3A_17 = vector.multi_reduction <maximumf>, %add3A_16, %reduce_max3A [1] : vector<1024x64xf32> to vector<1024xf32>
    %broadcast_in_dim3A = vector.shape_cast %reduce_max3A_17 : vector<1024xf32> to vector<1024x1xf32>
    %sub3A = vector.broadcast %broadcast_in_dim3A : vector<1024x1xf32> to vector<1024x64xf32>
    %sub3A_18 = arith.subf %add3A_16, %sub3A : vector<1024x64xf32>
    %exp3A = math.exp %sub3A_18 : vector<1024x64xf32>
    %reduce_sum3A = arith.constant dense<0.000000e+00> : vector<1024xf32>
    %reduce_sum3A_19 = vector.multi_reduction <add>, %exp3A, %reduce_sum3A [1] : vector<1024x64xf32> to vector<1024xf32>
    %broadcast_in_dim3A_20 = vector.shape_cast %reduce_sum3A_19 : vector<1024xf32> to vector<1024x1xf32>
    %log3A = math.log %broadcast_in_dim3A_20 : vector<1024x1xf32>
    %sub3A_21 = vector.broadcast %broadcast_in_dim3A : vector<1024x1xf32> to vector<1024x64xf32>
    %sub3A_22 = arith.subf %add3A_16, %sub3A_21 : vector<1024x64xf32>
    %sub3A_23 = vector.broadcast %log3A : vector<1024x1xf32> to vector<1024x64xf32>
    %sub3A_24 = arith.subf %sub3A_22, %sub3A_23 : vector<1024x64xf32>
    %swap3A = arith.constant 0 : index
    %swap3A_25 = arith.constant 0 : index
    %swap3A_26 = vector.load %arg5[%swap3A, %swap3A_25] : memref<1024x64xf32, #tpu.memory_space<vmem>>, vector<1024x64xf32>
    tpu.vector_store %arg5[%swap3A, %swap3A_25], %sub3A_24 {strides = array<i32>} : memref<1024x64xf32, #tpu.memory_space<vmem>>, vector<1024x64xf32>,
    return
  }
  func.func @transform_0(%arg0: i32) -> (i32, i32, i32) {
    %c0_i32 = arith.constant 0 : i32
    %c0_i32_0 = arith.constant 0 : i32
    %c0_i32_1 = arith.constant 0 : i32
    return %c0_i32, %arg0, %c0_i32_0 : i32, i32, i32
  }
  func.func @transform_1(%arg0: i32) -> (i32, i32, i32) {
    %c1_i32 = arith.constant 1 : i32
    %c0_i32 = arith.constant 0 : i32
    %c0_i32_0 = arith.constant 0 : i32
    return %c1_i32, %arg0, %c0_i32 : i32, i32, i32
  }
  func.func @transform_2(%arg0: i32) -> (i32, i32) {
    %c0_i32 = arith.constant 0 : i32
    %c0_i32_0 = arith.constant 0 : i32
    return %arg0, %c0_i32 : i32, i32
  }
  func.func @transform_3(%arg0: i32) -> (i32, i32) {
    %c0_i32 = arith.constant 0 : i32
    %c0_i32_0 = arith.constant 0 : i32
    %c0_i32_1 = arith.constant 0 : i32
    return %c0_i32, %c0_i32_0 : i32, i32
  }
  func.func @transform_4(%arg0: i32) -> (i32, i32) {
    %c0_i32 = arith.constant 0 : i32
    %c0_i32_0 = arith.constant 0 : i32
    return %arg0, %c0_i32 : i32, i32
  }
}

</mosaic_0001>

<sc_bundles>
// kernel: kernel.11.cloned.1.call-start
scs
__scs_entry_jumppad:
0x0: {  	(pc) =	sbr.rel $0x88, $3  }
0x1: {  	(tag) =	ssettag $0x0;
	lr =	simm.s32 $0x1  }
0x2: {  	[smem:$0x3F9B] =	sst lr;
	_ =	strace $0xD0000000  }
0x3: {  	_ = 	snop  }
0x4: {  	_ = 	snop  }
0x5: {  	_ = 	snop  }
0x6: {  	_ = 	snop  }
0x7: {  	_ = 	snop  }
__scs_overlays_trampoline_lowered:
0x8: {  	[smem:$0x3FAA] =	sst s0  }
0x9: {  	[smem:$0x3FAB] =	sst s1  }
0xa: {  	[smem:$0x3FAC] =	sst s2  }
0xb: {  	[smem:$0x3FAD] =	sst s3  }
0xc: {  	[smem:$0x3FAE] =	sst s4  }
0xd: {  	[smem:$0x3FAF] =	sst s5  }
0xe: {  	[smem:$0x3FB0] =	sst s6  }
0xf: {  	[smem:$0x3FB1] =	sst s7  }
0x10: {  	[smem:$0x3FB2] =	sst s8  }
0x11: {  	[smem:$0x3FB3] =	sst s9;
	s0 =	simm.s32 @!p0 $0x0  }
0x12: {  	s1 =	sld [smem:$0x3F99];
	s0 =	simm.s32 @p0 $0x1  }
0x13: {  	[smem:$0x3FB4] =	sst s0;
	s0 =	simm.s32 @!p1 $0x0  }
0x14: {  	s2 =	sld [smem:$0x3F98];
	s0 =	simm.s32 @p1 $0x1  }
0x15: {  	[smem:$0x3FB5] =	sst s0;
	s0 =	simm.s32 @!p2 $0x0  }
0x16: {  	s3 =	sld [smem:$0x3FDB];
	s0 =	simm.s32 @p2 $0x1  }
0x17: {  	s4 =	simm.s32 $0x1BF5;
	[smem:$0x3FB7] =	sst s0  }
0x18: {  	s0 =	sld [smem:$0x3F9A];
	_ =	swait.ge [sflag:s4], $0x0  }
0x19: {  	s7 =	sld [smem:$0x3F9B]  }
0x1a: {  	s8 =	sadd.s32 $0xFFFFE003, lr  }
0x1b: {  	s9 =	sadd.s32 $0xFFFFFEF7, lr;
	s5 =	simm.s32 $0xFFFFFFFF;
	p2 =	slt.u32 s8, $0xFFFFF086  }
0x1c: {  	p1 =	slt.u32 s9, $0xF7A;
	s5 =	simm.s32 @!p2 $0x0  }
0x1d: {  	s5 =	simm.s32 @p1 $0x1;
	p0 =	seq.s32 s7, s2  }
0x1e: {  	s7 =	smul.u32 @!p0 $0xF7A, s2;
	p2 =	seq.s32 @!p0 s5, $0x0  }
0x1f: {  	s9 =	smul.u32 $0xF7A, s1;
	s8 =	simm.s32 @!p0 $0x1BF5;
	p2 =	por !p2, p0  }
0x20: {  	[sflag:s8] =	ssyncset.s32 @!p0 $0xFFFFF086;
	s6 =	sadd.s32 @!p0 s3, s7;
	s7 =	simm.s32 @!p0 $0x108  }
0x21: {  	s3 =	sadd.s32 s3, s9;
	s6 =	sadd.s32 @!p0 $0x88, s6;
	s7 =	simm.s32 @p2 $0x1082  }
0x22: {  	[simem:s7], [sflag:s8] =	dma.local @!p0 [hbm:s6], $0xF7A  }
0x23: {  	s9 =	sor.u32 $0xD0000000, s2;
	s6 =	simm.s32 $0x108;
	_ =	swait.ge @!p0 [sflag:s8], $0x0  }
0x24: {  	s3 =	sadd.s32 $0x88, s3;
	s6 =	simm.s32 @!p1 $0x1082;
	[sflag:s4] =	ssyncset.s32 $0xFFFFF086  }
0x25: {  	[simem:s6], [sflag:s4] =	dma.local [hbm:s3], $0xF7A  }
0x26: {  	[smem:$0x3F9B] =	sst s1;
	(tag) =	ssettag s2;
	_ =	strace s9  }
0x27: {  	s1 =	sld [smem:$0x3FAB]  }
0x28: {  	s2 =	sld [smem:$0x3FAC]  }
0x29: {  	s4 =	sld [smem:$0x3FAE]  }
0x2a: {  	p0 =	seq.s32 s5, $0x0;
	s5 =	sld [smem:$0x3FAF]  }
0x2b: {  	s6 =	sld [smem:$0x3FB0]  }
0x2c: {  	s7 =	sld [smem:$0x3FB1]  }
0x2d: {  	s3 =	simm.s32 $0x108;
	s8 =	sld [smem:$0x3FB2]  }
0x2e: {  	s3 =	simm.s32 @!p0 $0x1082;
	s9 =	sld [smem:$0x3FB3]  }
0x2f: {  	lr =	sadd.s32 s0, s3;
	s0 =	sld [smem:$0x3FAA]  }
0x30: {  	s3 =	sld [smem:$0x3FAD]  }
0x31: {  	[smem:$0x3FB6] =	sst s10  }
0x32: {  	s10 =	sld [smem:$0x3FB4];
	_ =	sdelay $0x3  }
0x33: {  	p0 =	seq.s32 s10, $0x1;
	s10 =	sld [smem:$0x3FB6];
	_ =	sdelay $0x3  }
0x34: {  	[smem:$0x3FB6] =	sst s10  }
0x35: {  	s10 =	sld [smem:$0x3FB5];
	_ =	sdelay $0x3  }
0x36: {  	p1 =	seq.s32 s10, $0x1;
	s10 =	sld [smem:$0x3FB6];
	_ =	sdelay $0x3  }
0x37: {  	[smem:$0x3FB6] =	sst s10  }
0x38: {  	s10 =	sld [smem:$0x3FB7]  }
0x39: {  	_ = 	snop;
	(pc) =	sbr.ind lr, $3  }
0x3a: {  	_ = 	snop  }
0x3b: {  	_ = 	snop  }
0x3c: {  	p2 =	seq.s32 s10, $0x1;
	s10 =	sld [smem:$0x3FB6]  }
0x3d: {  	_ =	shalt  }
0x3e: {  	_ =	shalt  }
0x3f: {  	_ =	shalt  }
0x40: {  	_ =	shalt  }
0x41: {  	_ =	shalt  }
0x42: {  	_ =	shalt  }
0x43: {  	_ =	shalt  }
0x44: {  	_ =	shalt  }
0x45: {  	_ =	shalt  }
0x46: {  	_ =	shalt  }
0x47: {  	_ =	shalt  }
0x48: {  	_ =	shalt  }
0x49: {  	_ =	shalt  }
0x4a: {  	_ =	shalt  }
0x4b: {  	_ =	shalt  }
0x4c: {  	_ =	shalt  }
0x4d: {  	_ =	shalt  }
0x4e: {  	_ =	shalt  }
0x4f: {  	_ =	shalt  }
0x50: {  	_ =	shalt  }
0x51: {  	_ =	shalt  }
0x52: {  	_ =	shalt  }
0x53: {  	_ =	shalt  }
0x54: {  	_ =	shalt  }
0x55: {  	_ =	shalt  }
0x56: {  	_ =	shalt  }
0x57: {  	_ =	shalt  }
0x58: {  	_ =	shalt  }
0x59: {  	_ =	shalt  }
0x5a: {  	_ =	shalt  }
0x5b: {  	_ =	shalt  }
0x5c: {  	_ =	shalt  }
0x5d: {  	_ =	shalt  }
0x5e: {  	_ =	shalt  }
0x5f: {  	_ =	shalt  }
0x60: {  	_ =	shalt  }
0x61: {  	_ =	shalt  }
0x62: {  	_ =	shalt  }
0x63: {  	_ =	shalt  }
0x64: {  	_ =	shalt  }
0x65: {  	_ =	shalt  }
0x66: {  	_ =	shalt  }
0x67: {  	_ =	shalt  }
0x68: {  	_ =	shalt  }
0x69: {  	_ =	shalt  }
0x6a: {  	_ =	shalt  }
0x6b: {  	_ =	shalt  }
0x6c: {  	_ =	shalt  }
0x6d: {  	_ =	shalt  }
0x6e: {  	_ =	shalt  }
0x6f: {  	_ =	shalt  }
0x70: {  	_ =	shalt  }
0x71: {  	_ =	shalt  }
0x72: {  	_ =	shalt  }
0x73: {  	_ =	shalt  }
0x74: {  	_ =	shalt  }
0x75: {  	_ =	shalt  }
0x76: {  	_ =	shalt  }
0x77: {  	_ =	shalt  }
0x78: {  	_ =	shalt  }
0x79: {  	_ =	shalt  }
0x7a: {  	_ =	shalt  }
0x7b: {  	_ =	shalt  }
0x7c: {  	_ =	shalt  }
0x7d: {  	_ =	shalt  }
0x7e: {  	_ =	shalt  }
0x7f: {  	_ =	shalt  }
0x80: {  	_ =	shalt  }
0x81: {  	_ =	shalt  }
0x82: {  	_ =	shalt  }
0x83: {  	_ =	shalt  }
0x84: {  	_ =	shalt  }
0x85: {  	_ =	shalt  }
0x86: {  	_ =	shalt  }
0x87: {  	_ =	shalt  }
.Lfunc_end0:
.L_simem_size_0:
called_computation.1_lowered:
.L_overlay_start_0:
0x88: {  	s2 =	sld [smem:$0x3FD9]  }
0x89: {  	s3 =	sld [smem:$0x3FFE];
	_ =	sdelay $0x1  }
0x8a: {  	s1 =	srdreg.scid  }
0x8b: {  	s0 =	sand.u32 $0x1, s1  }
0x8c: {  	s16 =	sshll.u32 s0, $0xA;
	s2 =	sadd.s32 s3, s2  }
0x8d: {  	s2 =	sadd.s32 s2, s16  }
0x8e: {  	[smem:$0x3FC2] =	sst s2  }
0x8f: {  	_ = 	snop  }
0x90: {  	(tm) =	ssettm $0x1  }
0x91: {  	s17 =	sld [smem:$0x3FFB];
	_ =	sdelay $0x3  }
0x92: {  	_ =	strace s17  }
0x93: {  	s2 =	sld [smem:$0x3FFC];
	_ =	sdelay $0x3  }
0x94: {  	_ =	strace s2  }
0x95: {  	s2 =	sld [smem:$0x3FFD];
	_ =	sdelay $0x3  }
0x96: {  	_ =	strace s2  }
0x97: {  	_ =	strace $0x8FFFFFFF  }
0x98: {  	s18 =	sld [smem:$0x3FDB];
	_ =	sdelay $0x1  }
0x99: {  	s19 =	simm.s32 $_scs_section_size  }
0x9a: {  	s4 =	simm.s32 $_size__tile_overlayer_lowered;
	s5 =	simm.s32 $_tile_overlayer_lowered  }
0x9b: {  	s22 =	simm.s32 $0x1BFF;
	s21 =	sshll.u32 s5, $0x1;
	s2 =	sadd.s32 s19, s18  }
0x9c: {  	s6 =	simm.s32 $0x0;
	s20 =	sshll.u32 s4, $0x1;
	s4 =	sadd.s32 s21, s2  }
0x9d: {  	[timem:s6], [sflag:s22] =	dma.local [hbm:s4], s20  }
0x9e: {  	_ =	swait.ge [sflag:s22], s20  }
0x9f: {  	s3 =	ssub.s32 $0x0, s20;
	[sflag:s22] =	ssyncset.done $0x0  }
0xa0: {  	[sflag:s22] =	ssyncadd.s32 s3;
	_ =	sdelay $0x1  }
0xa1: {  	s23 =	simm.s32 $0x1B8B  }
0xa2: {  	_ =	swait.ge [sflag:s23], $0x1  }
0xa3: {  	[sflag:s23] =	ssyncset.done $0x0  }
0xa4: {  	s25 =	simm.s32 $0x1B8E;
	s24 =	sld [smem:$0x3FFE];
	[sflag:s23] =	ssyncadd.s32 $0xFFFFFFFF  }
0xa5: {  	s26 =	simm.s32 $execute0_lowered;
	[smem:$0x3FD2] =	sst s25  }
0xa6: {  	s4 =	sshll.u32 s26, $0x1;
	_ =	strace $0x80000049;
	[dreg:$0x1] =	wrdreg $0xFFFFFFFF  }
0xa7: {  	s28 =	simm.s32 $_size_execute0_lowered;
	s2 =	sadd.s32 s2, s4;
	[dreg:$0x0] =	wrdreg $0x0  }
0xa8: {  	s4 =	sshll.u32 s28, $0x1;
	[dreg:$0x2] =	wrdreg s2  }
0xa9: {  	[dreg:$0x3] =	wrdreg s4  }
0xaa: {  	[dreg:$0x4] =	wrdreg $0xC0  }
0xab: {  	_ =	task [dreg:s6], $0x5FFFF  }
0xac: {  	[dreg:$0x1] =	wrdreg $0xFFFFFFFF  }
0xad: {  	[dreg:$0x0] =	wrdreg $0x60  }
0xae: {  	[dreg:$0x2] =	wrdreg s24  }
0xaf: {  	[dreg:$0x3] =	wrdreg $0xE0000  }
0xb0: {  	[dreg:$0x4] =	wrdreg $0x9  }
0xb1: {  	_ =	task.clear_ibuf [dreg:s6], $0x5FFFF;
	_ =	strace $0x90000049  }
0xb2: {  	s29 =	simm.s32 $0x9;
	_ =	strace $0x8000004B  }
0xb3: {  	_ =	swait.ge [sflag:s29], $0x1  }
0xb4: {  	[sflag:s29] =	ssyncadd.s32 $0xFFFFFFFF  }
0xb5: {  	_ =	strace $0x9000004B  }
0xb6: {  	_ =	sfence  }
0xb7: {  	s30 =	sld [smem:$0x0];
	_ =	sdelay $0x2  }
0xb8: {  	s31 =	sshll.u32 s1, $0xD;
	s1 =	sshrl.u32 s1, $0x2  }
0xb9: {  	s3 =	sand.u32 $0x4000, s31;
	s1 =	sadd.s32 s1, s30  }
0xba: {  	s0 =	sor.u32 s3, s0;
	s1 =	sshll.u32 s1, $0x11  }
0xbb: {  	s0 =	sor.u32 s1, s0  }
0xbc: {  	s0 =	sadd.s32 $0x8F2B, s0  }
0xbd: {  	[sflag:s0] =	ssyncadd.remote.s32 $0x1  }
0xbe: {  	_ =	sfence.sel $0xFFFF  }
0xbf: {  	[dreg:$0x0] =	wrdreg $0xFFFFFFFF;
	(pc) =	sbr.abs _section_cstart, $3  }
0xc0: {  	[dreg:$0x1] =	wrdreg $0xFFFFFFFF  }
0xc1: {  	_ =	task.clear_ibuf [dreg:s6], $0x2FFFF;
	_ =	strace $0x9FFFFFFF  }
0xc2: {  	(tm) =	ssettm $0x7FFFFFFF  }
0xc3: {  	_ =	shalt  }
tec
execute0_lowered:
.L_overlay_start_1:
0x0: {  	(tag) =	ssettag $0x1  }
0x1: {  	s5 =	rddreg [dreg:$0x0];
	s1 =	srdreg.scid  }
0x2: {  	s0 =	stileid.u32;
	s2 =	rddreg [dreg:$0x1]  }
0x3: {  	s3 =	simm.s32 $0x0;
	s14 =	simm.s32 $0x2;
	s15 =	simm.s32 $0x80  }
0x4: {  	s16 =	simm.s32 $0x9F80;
	s17 =	simm.s32 $0xC000;
	s4 =	smul.u32 $0x5000, s0  }
0x5: {  	s6 =	sand.u32 $0x1, s1;
	s1 =	rddreg [dreg:$0x2];
	s8 =	smul.u32 $0xA000, s0  }
0x6: {  	s18 =	simm.s32 $0x0;
	[smem:$0x7FF] =	sst s3;
	s7 =	smul.u32 $0x50000, s6  }
0x7: {  	s31 =	sshll.u32 s0, $0x6;
	_ =	strace $0x8000004A;
	s10 =	smul.u32 $0xA0000, s6  }
0x8: {  	s6 =	ssub.s32 $0x2, s6;
	s9 =	sshrl.u32 s4, $0x3;
	s11 =	sshrl.u32 s8, $0x3  }
0x9: {  	s12 =	sshrl.u32 s6, $0x1;
	s13 =	sadd.s32 s8, s2;
	s7 =	sadd.s32 s4, s7  }
0xa: {  	s4 =	sadd.s32 $0x71800, s5;
	s9 =	sadd.s32 s9, s5;
	s10 =	sadd.s32 s8, s10  }
0xb: {  	s11 =	sadd.s32 s11, s5;
	s12 =	ssub.s32 s6, s12;
	s6 =	sor.u32 $0x1C03, s31  }
0xc: {  	s7 =	sshrl.u32 s7, $0x3;
	s10 =	sshrl.u32 s10, $0x3;
	s8 =	sadd.s32 $0x1E00, s9  }
0xd: {  	s7 =	sadd.s32 s7, s5;
	s10 =	sadd.s32 s10, s5;
	s5 =	sadd.s32 $0x21800, s11  }
0xe: {  	s11 =	sshrl.u32 s13, $0x3;
	s13 =	simm.s32 $0xA000;
	s7 =	sadd.s32 $0xD800, s7  }
0xf: {  	s9 =	sadd.s32 $0x35800, s10;
	s10 =	smax.u32 s12, $0x1;
	s12 =	simm.s32 $0x3  }
.LBB2_1:
0x10: {  	[spmem:s11], [sflag:s6] =	dma.local [hbm:s5], $0x1400  }
0x11: {  	_ =	swait.ge [sflag:s12], $0x1400  }
0x12: {  	[sflag:s12] =	ssyncset.done $0x0  }
0x13: {  	[sflag:s12] =	ssyncadd.s32 $0xFFFFEC00  }
0x14: {  	[tilespmem:s3], [sflag:$0x3] =	stream.linear.gather [hbm4b:s7+s3], $0x5000, $0x38;
	[tilespmem:$0x18000] =	vst v63  }
0x15: {  	_ =	swait.ge [sflag:s12], $0x5000  }
0x16: {  	[sflag:s12] =	ssyncset.done $0x0  }
0x17: {  	s19 =	simm.s32 $0x5000;
	[sflag:s12] =	ssyncadd.s32 $0xFFFFB000  }
0x18: {  	[tilespmem:s19], [sflag:$0x3] =	stream.linear.gather [hbm4b:s8+s3], $0x5000, $0x38;
	[tilespmem:$0x18000] =	vst v63  }
0x19: {  	_ =	swait.ge [sflag:s12], $0x5000  }
0x1a: {  	[sflag:s12] =	ssyncset.done $0x0  }
0x1b: {  	s20 =	sand.u32 $0x1, s3;
	[sflag:s12] =	ssyncadd.s32 $0xFFFFB000  }
0x1c: {  	p0 =	seq.s32 s20, $0x1;
	[bflag:$0x0] =	sbarrier.arrive $0xFFFF  }
0x1d: {  	[tilespmem:s13], [sflag:$0x1] =	stream.indirect.gather [hbm4b:s4+s15], $0x40, s3, s15, $0xb8;
	[tilespmem:$0x18000] =	vst v63  }
0x1e: {  	s20 =	simm.s32 @p0 $0x80;
	s21 =	simm.s32 @p0 $0xA000  }
0x1f: {  	[tilespmem:s21], [sflag:$0x1] =	stream.indirect.gather @p0 [hbm4b:s4+s20], $0x40, s15, s20, $0xb8;
	[tilespmem:$0x18000] =	vst v63  }
0x20: {  	s23 =	simm.s32 @!p0 $0x80;
	s22 =	simm.s32 @p0 $0x2;
	s21 =	simm.s32 @!p0 $0xC000  }
0x21: {  	[tilespmem:s21], [sflag:$0x2] =	stream.indirect.gather @!p0 [hbm4b:s4+s23], $0x40, s15, s23, $0xb8;
	[tilespmem:$0x18000] =	vst v63  }
0x22: {  	_ =	swait.ge @p0 [sflag:s22], $0x2000  }
0x23: {  	[sflag:s22] =	ssyncset.done @p0 $0x0  }
0x24: {  	s24 =	simm.s32 @!p0 $0x1;
	s21 =	simm.s32 @p0 $0xC000;
	[sflag:s22] =	ssyncadd.s32 @p0 $0xFFFFE000  }
0x25: {  	[spmem:s2] =	stream.indirect.scatter.add.f32 @p0 [tilespmem:s21], [sflag:$0x3], $0x40, s19, s20, $0xb8;
	[tilespmem:$0x18000] =	vst v63  }
0x26: {  	s25 =	simm.s32 $0x1;
	_ =	swait.ge @!p0 [sflag:s24], $0x2000  }
0x27: {  	s31 =	sand.u32 $0x1, s25;
	[sflag:s24] =	ssyncset.done @!p0 $0x0  }
0x28: {  	s22 =	simm.s32 @!p0 $0x4;
	s20 =	simm.s32 @!p0 $0xA000;
	[sflag:s24] =	ssyncadd.s32 @!p0 $0xFFFFE000  }
0x29: {  	[spmem:s2] =	stream.indirect.scatter.add.f32 @!p0 [tilespmem:s20], [sflag:$0x4], $0x40, s19, s23, $0xb8;
	[tilespmem:$0x18000] =	vst v63  }
0x2a: {  	s21 =	simm.s32 $0x2;
	s22 =	simm.s32 @p0 $0x3;
	s20 =	simm.s32 $0x100  }
0x2b: {  	p0 =	seq.s32 s31, $0x1;
	s19 =	simm.s32 $0x5080;
	_ =	swait.ge [sflag:s22], $0x2000  }
.LBB2_2:
0x2c: {  	s23 =	simm.s32 @p0 $0x80;
	s24 =	simm.s32 @p0 $0xA000;
	[sflag:s22] =	ssyncset.done $0x0  }
0x2d: {  	s25 =	smov.u32 s21;
	s21 =	sadd.s32 $0x1, s21;
	[sflag:s22] =	ssyncadd.s32 $0xFFFFE000  }
0x2e: {  	[tilespmem:s24], [sflag:$0x1] =	stream.indirect.gather @p0 [hbm4b:s4+s23], $0x40, s20, s23, $0xb8;
	[tilespmem:$0x18000] =	vst v63  }
0x2f: {  	s26 =	simm.s32 @p0 $0x2;
	s22 =	simm.s32 @!p0 $0xC000;
	s24 =	simm.s32 @!p0 $0x80  }
0x30: {  	[tilespmem:s22], [sflag:$0x2] =	stream.indirect.gather @!p0 [hbm4b:s4+s24], $0x40, s20, s24, $0xb8;
	[tilespmem:$0x18000] =	vst v63  }
0x31: {  	p1 =	sne.s32 s21, $0x9F;
	_ =	swait.ge @p0 [sflag:s26], $0x2000  }
0x32: {  	s28 =	simm.s32 @!p0 $0x1;
	s22 =	simm.s32 @p0 $0xC000;
	[sflag:s26] =	ssyncset.done @p0 $0x0  }
0x33: {  	[sflag:s26] =	ssyncadd.s32 @p0 $0xFFFFE000  }
0x34: {  	[spmem:s2] =	stream.indirect.scatter.add.f32 @p0 [tilespmem:s22], [sflag:$0x3], $0x40, s19, s23, $0xb8;
	[tilespmem:$0x18000] =	vst v63  }
.Ltmp0:
0x35: {  	s20 =	sadd.s32 $0x80, s20;
	_ =	swait.ge @!p0 [sflag:s28], $0x2000;
	(pc) =	sbr.rel @p1 .LBB2_2-.Ltmp0, $4  }
0x36: {  	s23 =	simm.s32 @!p0 $0xA000;
	s22 =	simm.s32 @!p0 $0x4;
	[sflag:s28] =	ssyncset.done @!p0 $0x0  }
0x37: {  	s25 =	sand.u32 $0x1, s25;
	s22 =	simm.s32 @p0 $0x3;
	[sflag:s28] =	ssyncadd.s32 @!p0 $0xFFFFE000  }
0x38: {  	[spmem:s2] =	stream.indirect.scatter.add.f32 @!p0 [tilespmem:s23], [sflag:$0x4], $0x40, s19, s24, $0xb8;
	[tilespmem:$0x18000] =	vst v63  }
0x39: {  	p0 =	seq.s32 s25, $0x1;
	s19 =	sadd.s32 $0x80, s19;
	_ =	swait.ge [sflag:s22], $0x2000  }
0x3a: {  	[sflag:s22] =	ssyncset.done $0x0  }
0x3b: {  	s21 =	simm.s32 @p0 $0x80;
	s23 =	simm.s32 @p0 $0xA000;
	[sflag:s22] =	ssyncadd.s32 $0xFFFFE000  }
0x3c: {  	[tilespmem:s23], [sflag:$0x1] =	stream.indirect.gather @p0 [hbm4b:s4+s21], $0x40, s20, s21, $0xb8;
	[tilespmem:$0x18000] =	vst v63  }
0x3d: {  	s24 =	simm.s32 @p0 $0x2;
	s22 =	simm.s32 @!p0 $0x80;
	s23 =	simm.s32 @!p0 $0xC000  }
0x3e: {  	[tilespmem:s23], [sflag:$0x2] =	stream.indirect.gather @!p0 [hbm4b:s4+s22], $0x40, s20, s22, $0xb8;
	[tilespmem:$0x18000] =	vst v63  }
0x3f: {  	_ =	swait.ge @p0 [sflag:s24], $0x2000  }
0x40: {  	[sflag:s24] =	ssyncset.done @p0 $0x0  }
0x41: {  	s20 =	simm.s32 @p0 $0xC000;
	s23 =	simm.s32 @!p0 $0x1;
	[sflag:s24] =	ssyncadd.s32 @p0 $0xFFFFE000  }
0x42: {  	[spmem:s2] =	stream.indirect.scatter.add.f32 @p0 [tilespmem:s20], [sflag:$0x3], $0x40, s19, s21, $0xb8;
	[tilespmem:$0x18000] =	vst v63  }
0x43: {  	_ =	swait.ge @!p0 [sflag:s23], $0x2000  }
0x44: {  	s20 =	simm.s32 @!p0 $0x4;
	[sflag:s23] =	ssyncset.done @!p0 $0x0  }
0x45: {  	s21 =	simm.s32 @!p0 $0xA000;
	s20 =	simm.s32 @p0 $0x3;
	[sflag:s23] =	ssyncadd.s32 @!p0 $0xFFFFE000  }
0x46: {  	[spmem:s2] =	stream.indirect.scatter.add.f32 @!p0 [tilespmem:s21], [sflag:$0x4], $0x40, s19, s22, $0xb8;
	[tilespmem:$0x18000] =	vst v63  }
0x47: {  	_ =	swait.ge [sflag:s20], $0x2000  }
0x48: {  	[sflag:s20] =	ssyncset.done $0x0  }
0x49: {  	[sflag:s20] =	ssyncadd.s32 $0xFFFFE000  }
0x4a: {  	_ =	swait.ge [sflag:s14], $0x2000  }
0x4b: {  	[sflag:s14] =	ssyncset.done $0x0  }
0x4c: {  	[sflag:s14] =	ssyncadd.s32 $0xFFFFE000  }
0x4d: {  	[spmem:s2] =	stream.indirect.scatter.add.f32 [tilespmem:s17], [sflag:$0x3], $0x40, s16, s15, $0xb8;
	[tilespmem:$0x18000] =	vst v63  }
0x4e: {  	_ =	swait.ge [sflag:s12], $0x2000  }
0x4f: {  	s18 =	sadd.s32 $0x1, s18;
	[sflag:s12] =	ssyncset.done $0x0  }
0x50: {  	p0 =	sne.s32 s18, s10;
	[sflag:s12] =	ssyncadd.s32 $0xFFFFE000  }
.Ltmp1:
0x51: {  	[bflag:$0x0] =	sbarrier.arrive $0xFFFF;
	(pc) =	sbr.rel @p0 .LBB2_1-.Ltmp1, $4  }
0x52: {  	[hbm:s9], [sflag:s6] =	dma.local [spmem:s11], $0x1400  }
0x53: {  	_ =	swait.ge [sflag:s12], $0x1400  }
0x54: {  	[sflag:s12] =	ssyncset.done $0x0  }
0x55: {  	[sflag:s12] =	ssyncadd.s32 $0xFFFFEC00  }
0x56: {  	_ =	sfence.sel $0x180000  }
0x57: {  	[bflag:$0x0] =	sbarrier.arrive $0xFFFF  }
0x58: {  	p0 =	sne.s32 s0, $0x0;
	_ =	strace $0x9000004A  }
0x59: {  	s0 =	sadd.s32 @!p0 $0x100000, s1;
	[bflag:$0x2] =	sbarrier.arrive $0xFFFF  }
0x5a: {  	[sflag:s0] =	ssyncadd.tile.s32 @!p0 $0x1;
	_ =	shalt  }
.Lfunc_end2:
_tile_overlayer_lowered:
.L_overlay_start_2:
0x5b: {  	(tag) =	ssettag $0x2  }
0x5c: {  	s0 =	rddreg [dreg:$0x0];
	s2 =	stileid.u32  }
0x5d: {  	s1 =	rddreg [dreg:$0x1];
	p0 =	sne.s32 s2, $0x0  }
0x5e: {  	s3 =	rddreg [dreg:$0x2];
	[bflag:$0x3] =	sbarrier.arrive $0xFFFF;
	s2 =	simm.s32 @!p0 $0x1C03  }
0x5f: {  	[timem:s3], [sflag:s2] =	dma.local @!p0 [hbm:s0], s1  }
0x60: {  	s0 =	simm.s32 @!p0 $0x3  }
0x61: {  	_ =	swait.ge @!p0 [sflag:s0], s1  }
0x62: {  	s1 =	ssub.s32 @!p0 $0x0, s1;
	[sflag:s0] =	ssyncset.done @!p0 $0x0  }
0x63: {  	[sflag:s0] =	ssyncadd.s32 @!p0 s1  }
0x64: {  	[bflag:$0x3] =	sbarrier.arrive $0xFFFF  }
0x65: {  	_ =	shalt  }

// kernel: kernel.14.cloned.1.call-start
scs
__scs_entry_jumppad:
0x0: {  	(pc) =	sbr.rel $0x88, $3  }
0x1: {  	(tag) =	ssettag $0x0;
	lr =	simm.s32 $0x1  }
0x2: {  	[smem:$0x3F9B] =	sst lr;
	_ =	strace $0xD0000000  }
0x3: {  	_ = 	snop  }
0x4: {  	_ = 	snop  }
0x5: {  	_ = 	snop  }
0x6: {  	_ = 	snop  }
0x7: {  	_ = 	snop  }
__scs_overlays_trampoline_lowered:
0x8: {  	[smem:$0x3FAA] =	sst s0  }
0x9: {  	[smem:$0x3FAB] =	sst s1  }
0xa: {  	[smem:$0x3FAC] =	sst s2  }
0xb: {  	[smem:$0x3FAD] =	sst s3  }
0xc: {  	[smem:$0x3FAE] =	sst s4  }
0xd: {  	[smem:$0x3FAF] =	sst s5  }
0xe: {  	[smem:$0x3FB0] =	sst s6  }
0xf: {  	[smem:$0x3FB1] =	sst s7  }
0x10: {  	[smem:$0x3FB2] =	sst s8  }
0x11: {  	[smem:$0x3FB3] =	sst s9;
	s0 =	simm.s32 @!p0 $0x0  }
0x12: {  	s1 =	sld [smem:$0x3F99];
	s0 =	simm.s32 @p0 $0x1  }
0x13: {  	[smem:$0x3FB4] =	sst s0;
	s0 =	simm.s32 @!p1 $0x0  }
0x14: {  	s2 =	sld [smem:$0x3F98];
	s0 =	simm.s32 @p1 $0x1  }
0x15: {  	[smem:$0x3FB5] =	sst s0;
	s0 =	simm.s32 @!p2 $0x0  }
0x16: {  	s3 =	sld [smem:$0x3FDB];
	s0 =	simm.s32 @p2 $0x1  }
0x17: {  	s4 =	simm.s32 $0x1BF5;
	[smem:$0x3FB7] =	sst s0  }
0x18: {  	s0 =	sld [smem:$0x3F9A];
	_ =	swait.ge [sflag:s4], $0x0  }
0x19: {  	s7 =	sld [smem:$0x3F9B]  }
0x1a: {  	s8 =	sadd.s32 $0xFFFFE003, lr  }
0x1b: {  	s9 =	sadd.s32 $0xFFFFFEF7, lr;
	s5 =	simm.s32 $0xFFFFFFFF;
	p2 =	slt.u32 s8, $0xFFFFF086  }
0x1c: {  	p1 =	slt.u32 s9, $0xF7A;
	s5 =	simm.s32 @!p2 $0x0  }
0x1d: {  	s5 =	simm.s32 @p1 $0x1;
	p0 =	seq.s32 s7, s2  }
0x1e: {  	s7 =	smul.u32 @!p0 $0xF7A, s2;
	p2 =	seq.s32 @!p0 s5, $0x0  }
0x1f: {  	s9 =	smul.u32 $0xF7A, s1;
	s8 =	simm.s32 @!p0 $0x1BF5;
	p2 =	por !p2, p0  }
0x20: {  	[sflag:s8] =	ssyncset.s32 @!p0 $0xFFFFF086;
	s6 =	sadd.s32 @!p0 s3, s7;
	s7 =	simm.s32 @!p0 $0x108  }
0x21: {  	s3 =	sadd.s32 s3, s9;
	s6 =	sadd.s32 @!p0 $0x88, s6;
	s7 =	simm.s32 @p2 $0x1082  }
0x22: {  	[simem:s7], [sflag:s8] =	dma.local @!p0 [hbm:s6], $0xF7A  }
0x23: {  	s9 =	sor.u32 $0xD0000000, s2;
	s6 =	simm.s32 $0x108;
	_ =	swait.ge @!p0 [sflag:s8], $0x0  }
0x24: {  	s3 =	sadd.s32 $0x88, s3;
	s6 =	simm.s32 @!p1 $0x1082;
	[sflag:s4] =	ssyncset.s32 $0xFFFFF086  }
0x25: {  	[simem:s6], [sflag:s4] =	dma.local [hbm:s3], $0xF7A  }
0x26: {  	[smem:$0x3F9B] =	sst s1;
	(tag) =	ssettag s2;
	_ =	strace s9  }
0x27: {  	s1 =	sld [smem:$0x3FAB]  }
0x28: {  	s2 =	sld [smem:$0x3FAC]  }
0x29: {  	s4 =	sld [smem:$0x3FAE]  }
0x2a: {  	p0 =	seq.s32 s5, $0x0;
	s5 =	sld [smem:$0x3FAF]  }
0x2b: {  	s6 =	sld [smem:$0x3FB0]  }
0x2c: {  	s7 =	sld [smem:$0x3FB1]  }
0x2d: {  	s3 =	simm.s32 $0x108;
	s8 =	sld [smem:$0x3FB2]  }
0x2e: {  	s3 =	simm.s32 @!p0 $0x1082;
	s9 =	sld [smem:$0x3FB3]  }
0x2f: {  	lr =	sadd.s32 s0, s3;
	s0 =	sld [smem:$0x3FAA]  }
0x30: {  	s3 =	sld [smem:$0x3FAD]  }
0x31: {  	[smem:$0x3FB6] =	sst s10  }
0x32: {  	s10 =	sld [smem:$0x3FB4];
	_ =	sdelay $0x3  }
0x33: {  	p0 =	seq.s32 s10, $0x1;
	s10 =	sld [smem:$0x3FB6];
	_ =	sdelay $0x3  }
0x34: {  	[smem:$0x3FB6] =	sst s10  }
0x35: {  	s10 =	sld [smem:$0x3FB5];
	_ =	sdelay $0x3  }
0x36: {  	p1 =	seq.s32 s10, $0x1;
	s10 =	sld [smem:$0x3FB6];
	_ =	sdelay $0x3  }
0x37: {  	[smem:$0x3FB6] =	sst s10  }
0x38: {  	s10 =	sld [smem:$0x3FB7]  }
0x39: {  	_ = 	snop;
	(pc) =	sbr.ind lr, $3  }
0x3a: {  	_ = 	snop  }
0x3b: {  	_ = 	snop  }
0x3c: {  	p2 =	seq.s32 s10, $0x1;
	s10 =	sld [smem:$0x3FB6]  }
0x3d: {  	_ =	shalt  }
0x3e: {  	_ =	shalt  }
0x3f: {  	_ =	shalt  }
0x40: {  	_ =	shalt  }
0x41: {  	_ =	shalt  }
0x42: {  	_ =	shalt  }
0x43: {  	_ =	shalt  }
0x44: {  	_ =	shalt  }
0x45: {  	_ =	shalt  }
0x46: {  	_ =	shalt  }
0x47: {  	_ =	shalt  }
0x48: {  	_ =	shalt  }
0x49: {  	_ =	shalt  }
0x4a: {  	_ =	shalt  }
0x4b: {  	_ =	shalt  }
0x4c: {  	_ =	shalt  }
0x4d: {  	_ =	shalt  }
0x4e: {  	_ =	shalt  }
0x4f: {  	_ =	shalt  }
0x50: {  	_ =	shalt  }
0x51: {  	_ =	shalt  }
0x52: {  	_ =	shalt  }
0x53: {  	_ =	shalt  }
0x54: {  	_ =	shalt  }
0x55: {  	_ =	shalt  }
0x56: {  	_ =	shalt  }
0x57: {  	_ =	shalt  }
0x58: {  	_ =	shalt  }
0x59: {  	_ =	shalt  }
0x5a: {  	_ =	shalt  }
0x5b: {  	_ =	shalt  }
0x5c: {  	_ =	shalt  }
0x5d: {  	_ =	shalt  }
0x5e: {  	_ =	shalt  }
0x5f: {  	_ =	shalt  }
0x60: {  	_ =	shalt  }
0x61: {  	_ =	shalt  }
0x62: {  	_ =	shalt  }
0x63: {  	_ =	shalt  }
0x64: {  	_ =	shalt  }
0x65: {  	_ =	shalt  }
0x66: {  	_ =	shalt  }
0x67: {  	_ =	shalt  }
0x68: {  	_ =	shalt  }
0x69: {  	_ =	shalt  }
0x6a: {  	_ =	shalt  }
0x6b: {  	_ =	shalt  }
0x6c: {  	_ =	shalt  }
0x6d: {  	_ =	shalt  }
0x6e: {  	_ =	shalt  }
0x6f: {  	_ =	shalt  }
0x70: {  	_ =	shalt  }
0x71: {  	_ =	shalt  }
0x72: {  	_ =	shalt  }
0x73: {  	_ =	shalt  }
0x74: {  	_ =	shalt  }
0x75: {  	_ =	shalt  }
0x76: {  	_ =	shalt  }
0x77: {  	_ =	shalt  }
0x78: {  	_ =	shalt  }
0x79: {  	_ =	shalt  }
0x7a: {  	_ =	shalt  }
0x7b: {  	_ =	shalt  }
0x7c: {  	_ =	shalt  }
0x7d: {  	_ =	shalt  }
0x7e: {  	_ =	shalt  }
0x7f: {  	_ =	shalt  }
0x80: {  	_ =	shalt  }
0x81: {  	_ =	shalt  }
0x82: {  	_ =	shalt  }
0x83: {  	_ =	shalt  }
0x84: {  	_ =	shalt  }
0x85: {  	_ =	shalt  }
0x86: {  	_ =	shalt  }
0x87: {  	_ =	shalt  }
.Lfunc_end0:
.L_simem_size_0:
called_computation.2_lowered:
.L_overlay_start_0:
0x88: {  	s2 =	sld [smem:$0x3FD9]  }
0x89: {  	s3 =	sld [smem:$0x3FFE];
	_ =	sdelay $0x1  }
0x8a: {  	s1 =	srdreg.scid  }
0x8b: {  	s0 =	sand.u32 $0x1, s1  }
0x8c: {  	s17 =	sshll.u32 s0, $0xA;
	s2 =	sadd.s32 s3, s2  }
0x8d: {  	s2 =	sadd.s32 s2, s17  }
0x8e: {  	[smem:$0x3FC2] =	sst s2  }
0x8f: {  	_ = 	snop  }
0x90: {  	s2 =	sld [smem:$0x3FD0];
	(tm) =	ssettm $0x1  }
0x91: {  	s18 =	sld [smem:$0x3FFB];
	_ =	sdelay $0x3  }
0x92: {  	_ =	strace s18  }
0x93: {  	s3 =	sld [smem:$0x3FFC];
	_ =	sdelay $0x3  }
0x94: {  	_ =	strace s3  }
0x95: {  	s3 =	sld [smem:$0x3FFD];
	_ =	sdelay $0x3  }
0x96: {  	_ =	strace s3  }
0x97: {  	_ =	strace $0x8FFFFFFF  }
0x98: {  	s19 =	sld [smem:$0x3FDB];
	_ =	sdelay $0x1  }
0x99: {  	s4 =	simm.s32 $_scs_section_size  }
0x9a: {  	s5 =	simm.s32 $_size__tile_overlayer_lowered;
	s6 =	simm.s32 $_tile_overlayer_lowered  }
0x9b: {  	s22 =	simm.s32 $0x1BFF;
	s21 =	sshll.u32 s6, $0x1;
	s3 =	sadd.s32 s4, s19  }
0x9c: {  	s7 =	simm.s32 $0x0;
	s20 =	sshll.u32 s5, $0x1;
	s5 =	sadd.s32 s21, s3  }
0x9d: {  	[timem:s7], [sflag:s22] =	dma.local [hbm:s5], s20  }
0x9e: {  	_ =	swait.ge [sflag:s22], s20  }
0x9f: {  	s4 =	ssub.s32 $0x0, s20;
	[sflag:s22] =	ssyncset.done $0x0  }
0xa0: {  	[sflag:s22] =	ssyncadd.s32 s4;
	_ =	sdelay $0x1  }
0xa1: {  	s23 =	simm.s32 $0x1B8B  }
0xa2: {  	_ =	swait.ge [sflag:s23], $0x1  }
0xa3: {  	[sflag:s23] =	ssyncset.done $0x0  }
0xa4: {  	s25 =	simm.s32 $0x1B8E;
	s24 =	sld [smem:$0x3FFE];
	[sflag:s23] =	ssyncadd.s32 $0xFFFFFFFF  }
0xa5: {  	s26 =	simm.s32 $execute0_lowered;
	[smem:$0x3FD2] =	sst s25  }
0xa6: {  	s5 =	sshll.u32 s26, $0x1;
	_ =	strace $0x8000004C;
	[dreg:$0x1] =	wrdreg $0xFFFFFFFF  }
0xa7: {  	s28 =	simm.s32 $_size_execute0_lowered;
	s3 =	sadd.s32 s3, s5;
	[dreg:$0x0] =	wrdreg $0x0  }
0xa8: {  	s5 =	sshll.u32 s28, $0x1;
	[dreg:$0x2] =	wrdreg s3  }
0xa9: {  	[dreg:$0x3] =	wrdreg s5  }
0xaa: {  	[dreg:$0x4] =	wrdreg $0xC0  }
0xab: {  	_ =	task [dreg:s7], $0x5FFFF  }
0xac: {  	[dreg:$0x1] =	wrdreg $0xFFFFFFFF  }
0xad: {  	[dreg:$0x0] =	wrdreg $0x60  }
0xae: {  	[dreg:$0x2] =	wrdreg s24  }
0xaf: {  	[dreg:$0x3] =	wrdreg s2  }
0xb0: {  	[dreg:$0x4] =	wrdreg $0xC0000  }
0xb1: {  	[dreg:$0x5] =	wrdreg $0x9  }
0xb2: {  	_ =	task.clear_ibuf [dreg:s7], $0x6FFFF;
	_ =	strace $0x9000004C  }
0xb3: {  	s29 =	simm.s32 $0x9;
	_ =	strace $0x8000004E  }
0xb4: {  	_ =	swait.ge [sflag:s29], $0x1  }
0xb5: {  	[sflag:s29] =	ssyncadd.s32 $0xFFFFFFFF  }
0xb6: {  	_ =	strace $0x9000004E  }
0xb7: {  	_ =	sfence  }
0xb8: {  	s30 =	sld [smem:$0x0];
	_ =	sdelay $0x2  }
0xb9: {  	s31 =	sshll.u32 s1, $0xD;
	s1 =	sshrl.u32 s1, $0x2  }
0xba: {  	s3 =	sand.u32 $0x4000, s31;
	s1 =	sadd.s32 s1, s30  }
0xbb: {  	s0 =	sor.u32 s3, s0;
	s1 =	sshll.u32 s1, $0x11  }
0xbc: {  	s0 =	sor.u32 s1, s0  }
0xbd: {  	s0 =	sadd.s32 $0x8F2B, s0  }
0xbe: {  	[sflag:s0] =	ssyncadd.remote.s32 $0x1  }
0xbf: {  	_ =	sfence.sel $0xFFFF  }
0xc0: {  	[dreg:$0x0] =	wrdreg $0xFFFFFFFF;
	(pc) =	sbr.abs _section_cstart, $3  }
0xc1: {  	[dreg:$0x1] =	wrdreg $0xFFFFFFFF  }
0xc2: {  	_ =	task.clear_ibuf [dreg:s7], $0x2FFFF;
	_ =	strace $0x9FFFFFFF  }
0xc3: {  	(tm) =	ssettm $0x7FFFFFFF  }
tec
execute0_lowered:
.L_overlay_start_1:
0x0: {  	(tag) =	ssettag $0x1  }
0x1: {  	s5 =	rddreg [dreg:$0x0]  }
0x2: {  	s6 =	rddreg [dreg:$0x1]  }
0x3: {  	s2 =	rddreg [dreg:$0x2]  }
0x4: {  	s0 =	rddreg [dreg:$0x3]  }
0x5: {  	s1 =	stileid.u32;
	s4 =	srdreg.scid;
	s3 =	simm.s32 $0x0  }
0x6: {  	s14 =	simm.s32 $0x2;
	s15 =	simm.s32 $0x80;
	s16 =	simm.s32 $0x9F80  }
0x7: {  	s17 =	simm.s32 $0xB000;
	s18 =	simm.s32 $0x0;
	s7 =	smul.u32 $0x5000, s1  }
0x8: {  	s8 =	sand.u32 $0x1, s4;
	[smem:$0x7FF] =	sst s3;
	s4 =	sadd.s32 $0x21800, s5  }
0x9: {  	s31 =	sshll.u32 s1, $0x6;
	s9 =	smul.u32 $0x50000, s8;
	s8 =	ssub.s32 $0x2, s8  }
0xa: {  	_ =	strace $0x8000004D;
	s10 =	sshrl.u32 s7, $0x3;
	s12 =	sshrl.u32 s8, $0x1  }
0xb: {  	s13 =	sadd.s32 s7, s2;
	s9 =	sadd.s32 s7, s9;
	s11 =	sadd.s32 s10, s5  }
0xc: {  	s12 =	ssub.s32 s8, s12;
	s9 =	sshrl.u32 s9, $0x3;
	s8 =	sadd.s32 $0x1E00, s11  }
0xd: {  	s11 =	sshrl.u32 s13, $0x3;
	s13 =	simm.s32 $0xA000;
	s9 =	sadd.s32 s9, s5  }
0xe: {  	s5 =	sadd.s32 s6, s10;
	s6 =	sor.u32 $0x1C03, s31;
	s10 =	smax.u32 s12, $0x1  }
0xf: {  	s12 =	simm.s32 $0x3;
	s7 =	sadd.s32 $0xD800, s9;
	s9 =	sadd.s32 $0x35800, s9  }
.LBB2_1:
0x10: {  	[spmem:s11], [sflag:s6] =	dma.local [hbm:s5], $0xA00  }
0x11: {  	_ =	swait.ge [sflag:s12], $0xA00  }
0x12: {  	[sflag:s12] =	ssyncset.done $0x0  }
0x13: {  	[sflag:s12] =	ssyncadd.s32 $0xFFFFF600  }
0x14: {  	[tilespmem:s3], [sflag:$0x3] =	stream.linear.gather [hbm4b:s7+s3], $0x5000, $0x38;
	[tilespmem:$0x11000] =	vst v63  }
0x15: {  	_ =	swait.ge [sflag:s12], $0x5000  }
0x16: {  	[sflag:s12] =	ssyncset.done $0x0  }
0x17: {  	s19 =	simm.s32 $0x5000;
	[sflag:s12] =	ssyncadd.s32 $0xFFFFB000  }
0x18: {  	[tilespmem:s19], [sflag:$0x3] =	stream.linear.gather [hbm4b:s8+s3], $0x5000, $0x38;
	[tilespmem:$0x11000] =	vst v63  }
0x19: {  	_ =	swait.ge [sflag:s12], $0x5000  }
0x1a: {  	[sflag:s12] =	ssyncset.done $0x0  }
0x1b: {  	s20 =	sand.u32 $0x1, s3;
	[sflag:s12] =	ssyncadd.s32 $0xFFFFB000  }
0x1c: {  	p0 =	seq.s32 s20, $0x1;
	[bflag:$0x0] =	sbarrier.arrive $0xFFFF  }
0x1d: {  	[tilespmem:s13], [sflag:$0x1] =	stream.indirect.gather [hbm4b:s4+s15], $0x20, s3, s15, $0xb8;
	[tilespmem:$0x11000] =	vst v63  }
0x1e: {  	s20 =	simm.s32 @p0 $0x80;
	s21 =	simm.s32 @p0 $0xA000  }
0x1f: {  	[tilespmem:s21], [sflag:$0x1] =	stream.indirect.gather @p0 [hbm4b:s4+s20], $0x20, s15, s20, $0xb8;
	[tilespmem:$0x11000] =	vst v63  }
0x20: {  	s23 =	simm.s32 @!p0 $0x80;
	s22 =	simm.s32 @p0 $0x2;
	s21 =	simm.s32 @!p0 $0xB000  }
0x21: {  	[tilespmem:s21], [sflag:$0x2] =	stream.indirect.gather @!p0 [hbm4b:s4+s23], $0x20, s15, s23, $0xb8;
	[tilespmem:$0x11000] =	vst v63  }
0x22: {  	_ =	swait.ge @p0 [sflag:s22], $0x1000  }
0x23: {  	[sflag:s22] =	ssyncset.done @p0 $0x0  }
0x24: {  	s24 =	simm.s32 @!p0 $0x1;
	s21 =	simm.s32 @p0 $0xB000;
	[sflag:s22] =	ssyncadd.s32 @p0 $0xFFFFF000  }
0x25: {  	[spmem:s2] =	stream.indirect.scatter.add.f32 @p0 [tilespmem:s21], [sflag:$0x3], $0x20, s19, s20, $0xb8;
	[tilespmem:$0x11000] =	vst v63  }
0x26: {  	s25 =	simm.s32 $0x1;
	_ =	swait.ge @!p0 [sflag:s24], $0x1000  }
0x27: {  	s31 =	sand.u32 $0x1, s25;
	[sflag:s24] =	ssyncset.done @!p0 $0x0  }
0x28: {  	s22 =	simm.s32 @!p0 $0x4;
	s20 =	simm.s32 @!p0 $0xA000;
	[sflag:s24] =	ssyncadd.s32 @!p0 $0xFFFFF000  }
0x29: {  	[spmem:s2] =	stream.indirect.scatter.add.f32 @!p0 [tilespmem:s20], [sflag:$0x4], $0x20, s19, s23, $0xb8;
	[tilespmem:$0x11000] =	vst v63  }
0x2a: {  	s21 =	simm.s32 $0x2;
	s22 =	simm.s32 @p0 $0x3;
	s20 =	simm.s32 $0x100  }
0x2b: {  	p0 =	seq.s32 s31, $0x1;
	s19 =	simm.s32 $0x5080;
	_ =	swait.ge [sflag:s22], $0x1000  }
.LBB2_2:
0x2c: {  	s23 =	simm.s32 @p0 $0x80;
	s24 =	simm.s32 @p0 $0xA000;
	[sflag:s22] =	ssyncset.done $0x0  }
0x2d: {  	s25 =	smov.u32 s21;
	s21 =	sadd.s32 $0x1, s21;
	[sflag:s22] =	ssyncadd.s32 $0xFFFFF000  }
0x2e: {  	[tilespmem:s24], [sflag:$0x1] =	stream.indirect.gather @p0 [hbm4b:s4+s23], $0x20, s20, s23, $0xb8;
	[tilespmem:$0x11000] =	vst v63  }
0x2f: {  	s26 =	simm.s32 @p0 $0x2;
	s22 =	simm.s32 @!p0 $0xB000;
	s24 =	simm.s32 @!p0 $0x80  }
0x30: {  	[tilespmem:s22], [sflag:$0x2] =	stream.indirect.gather @!p0 [hbm4b:s4+s24], $0x20, s20, s24, $0xb8;
	[tilespmem:$0x11000] =	vst v63  }
0x31: {  	p1 =	sne.s32 s21, $0x9F;
	_ =	swait.ge @p0 [sflag:s26], $0x1000  }
0x32: {  	s28 =	simm.s32 @!p0 $0x1;
	s22 =	simm.s32 @p0 $0xB000;
	[sflag:s26] =	ssyncset.done @p0 $0x0  }
0x33: {  	[sflag:s26] =	ssyncadd.s32 @p0 $0xFFFFF000  }
0x34: {  	[spmem:s2] =	stream.indirect.scatter.add.f32 @p0 [tilespmem:s22], [sflag:$0x3], $0x20, s19, s23, $0xb8;
	[tilespmem:$0x11000] =	vst v63  }
.Ltmp0:
0x35: {  	s20 =	sadd.s32 $0x80, s20;
	_ =	swait.ge @!p0 [sflag:s28], $0x1000;
	(pc) =	sbr.rel @p1 .LBB2_2-.Ltmp0, $4  }
0x36: {  	s23 =	simm.s32 @!p0 $0xA000;
	s22 =	simm.s32 @!p0 $0x4;
	[sflag:s28] =	ssyncset.done @!p0 $0x0  }
0x37: {  	s25 =	sand.u32 $0x1, s25;
	s22 =	simm.s32 @p0 $0x3;
	[sflag:s28] =	ssyncadd.s32 @!p0 $0xFFFFF000  }
0x38: {  	[spmem:s2] =	stream.indirect.scatter.add.f32 @!p0 [tilespmem:s23], [sflag:$0x4], $0x20, s19, s24, $0xb8;
	[tilespmem:$0x11000] =	vst v63  }
0x39: {  	p0 =	seq.s32 s25, $0x1;
	s19 =	sadd.s32 $0x80, s19;
	_ =	swait.ge [sflag:s22], $0x1000  }
0x3a: {  	[sflag:s22] =	ssyncset.done $0x0  }
0x3b: {  	s21 =	simm.s32 @p0 $0x80;
	s23 =	simm.s32 @p0 $0xA000;
	[sflag:s22] =	ssyncadd.s32 $0xFFFFF000  }
0x3c: {  	[tilespmem:s23], [sflag:$0x1] =	stream.indirect.gather @p0 [hbm4b:s4+s21], $0x20, s20, s21, $0xb8;
	[tilespmem:$0x11000] =	vst v63  }
0x3d: {  	s24 =	simm.s32 @p0 $0x2;
	s22 =	simm.s32 @!p0 $0x80;
	s23 =	simm.s32 @!p0 $0xB000  }
0x3e: {  	[tilespmem:s23], [sflag:$0x2] =	stream.indirect.gather @!p0 [hbm4b:s4+s22], $0x20, s20, s22, $0xb8;
	[tilespmem:$0x11000] =	vst v63  }
0x3f: {  	_ =	swait.ge @p0 [sflag:s24], $0x1000  }
0x40: {  	[sflag:s24] =	ssyncset.done @p0 $0x0  }
0x41: {  	s20 =	simm.s32 @p0 $0xB000;
	s23 =	simm.s32 @!p0 $0x1;
	[sflag:s24] =	ssyncadd.s32 @p0 $0xFFFFF000  }
0x42: {  	[spmem:s2] =	stream.indirect.scatter.add.f32 @p0 [tilespmem:s20], [sflag:$0x3], $0x20, s19, s21, $0xb8;
	[tilespmem:$0x11000] =	vst v63  }
0x43: {  	_ =	swait.ge @!p0 [sflag:s23], $0x1000  }
0x44: {  	s20 =	simm.s32 @!p0 $0x4;
	[sflag:s23] =	ssyncset.done @!p0 $0x0  }
0x45: {  	s21 =	simm.s32 @!p0 $0xA000;
	s20 =	simm.s32 @p0 $0x3;
	[sflag:s23] =	ssyncadd.s32 @!p0 $0xFFFFF000  }
0x46: {  	[spmem:s2] =	stream.indirect.scatter.add.f32 @!p0 [tilespmem:s21], [sflag:$0x4], $0x20, s19, s22, $0xb8;
	[tilespmem:$0x11000] =	vst v63  }
0x47: {  	_ =	swait.ge [sflag:s20], $0x1000  }
0x48: {  	[sflag:s20] =	ssyncset.done $0x0  }
0x49: {  	[sflag:s20] =	ssyncadd.s32 $0xFFFFF000  }
0x4a: {  	_ =	swait.ge [sflag:s14], $0x1000  }
0x4b: {  	[sflag:s14] =	ssyncset.done $0x0  }
0x4c: {  	[sflag:s14] =	ssyncadd.s32 $0xFFFFF000  }
0x4d: {  	[spmem:s2] =	stream.indirect.scatter.add.f32 [tilespmem:s17], [sflag:$0x3], $0x20, s16, s15, $0xb8;
	[tilespmem:$0x11000] =	vst v63  }
0x4e: {  	_ =	swait.ge [sflag:s12], $0x1000  }
0x4f: {  	s18 =	sadd.s32 $0x1, s18;
	[sflag:s12] =	ssyncset.done $0x0  }
0x50: {  	p0 =	sne.s32 s18, s10;
	[sflag:s12] =	ssyncadd.s32 $0xFFFFF000  }
.Ltmp1:
0x51: {  	[bflag:$0x0] =	sbarrier.arrive $0xFFFF;
	(pc) =	sbr.rel @p0 .LBB2_1-.Ltmp1, $4  }
0x52: {  	[hbm:s9], [sflag:s6] =	dma.local [spmem:s11], $0xA00  }
0x53: {  	_ =	swait.ge [sflag:s12], $0xA00  }
0x54: {  	[sflag:s12] =	ssyncset.done $0x0  }
0x55: {  	[sflag:s12] =	ssyncadd.s32 $0xFFFFF600  }
0x56: {  	_ =	sfence.sel $0x180000  }
0x57: {  	[bflag:$0x0] =	sbarrier.arrive $0xFFFF  }
0x58: {  	p0 =	sne.s32 s1, $0x0;
	_ =	strace $0x9000004D  }
0x59: {  	s0 =	sadd.s32 @!p0 $0x100000, s0;
	[bflag:$0x2] =	sbarrier.arrive $0xFFFF  }
0x5a: {  	[sflag:s0] =	ssyncadd.tile.s32 @!p0 $0x1;
	_ =	shalt  }
.Lfunc_end2:
_tile_overlayer_lowered:
.L_overlay_start_2:
0x5b: {  	(tag) =	ssettag $0x2  }
0x5c: {  	s0 =	rddreg [dreg:$0x0];
	s2 =	stileid.u32  }
0x5d: {  	s1 =	rddreg [dreg:$0x1];
	p0 =	sne.s32 s2, $0x0  }
0x5e: {  	s3 =	rddreg [dreg:$0x2];
	[bflag:$0x3] =	sbarrier.arrive $0xFFFF;
	s2 =	simm.s32 @!p0 $0x1C03  }
0x5f: {  	[timem:s3], [sflag:s2] =	dma.local @!p0 [hbm:s0], s1  }
0x60: {  	s0 =	simm.s32 @!p0 $0x3  }
0x61: {  	_ =	swait.ge @!p0 [sflag:s0], s1  }
0x62: {  	s1 =	ssub.s32 @!p0 $0x0, s1;
	[sflag:s0] =	ssyncset.done @!p0 $0x0  }
0x63: {  	[sflag:s0] =	ssyncadd.s32 @!p0 s1  }
0x64: {  	[bflag:$0x3] =	sbarrier.arrive $0xFFFF  }
0x65: {  	_ =	shalt  }

// kernel: kernel.8.cloned.1.call-start
scs
__scs_entry_jumppad:
0x0: {  	(pc) =	sbr.rel $0x88, $3  }
0x1: {  	(tag) =	ssettag $0x0;
	lr =	simm.s32 $0x1  }
0x2: {  	[smem:$0x3F9B] =	sst lr;
	_ =	strace $0xD0000000  }
0x3: {  	_ = 	snop  }
0x4: {  	_ = 	snop  }
0x5: {  	_ = 	snop  }
0x6: {  	_ = 	snop  }
0x7: {  	_ = 	snop  }
__scs_overlays_trampoline_lowered:
0x8: {  	[smem:$0x3FAA] =	sst s0  }
0x9: {  	[smem:$0x3FAB] =	sst s1  }
0xa: {  	[smem:$0x3FAC] =	sst s2  }
0xb: {  	[smem:$0x3FAD] =	sst s3  }
0xc: {  	[smem:$0x3FAE] =	sst s4  }
0xd: {  	[smem:$0x3FAF] =	sst s5  }
0xe: {  	[smem:$0x3FB0] =	sst s6  }
0xf: {  	[smem:$0x3FB1] =	sst s7  }
0x10: {  	[smem:$0x3FB2] =	sst s8  }
0x11: {  	[smem:$0x3FB3] =	sst s9;
	s0 =	simm.s32 @!p0 $0x0  }
0x12: {  	s1 =	sld [smem:$0x3F99];
	s0 =	simm.s32 @p0 $0x1  }
0x13: {  	[smem:$0x3FB4] =	sst s0;
	s0 =	simm.s32 @!p1 $0x0  }
0x14: {  	s2 =	sld [smem:$0x3F98];
	s0 =	simm.s32 @p1 $0x1  }
0x15: {  	[smem:$0x3FB5] =	sst s0;
	s0 =	simm.s32 @!p2 $0x0  }
0x16: {  	s3 =	sld [smem:$0x3FDB];
	s0 =	simm.s32 @p2 $0x1  }
0x17: {  	s4 =	simm.s32 $0x1BF5;
	[smem:$0x3FB7] =	sst s0  }
0x18: {  	s0 =	sld [smem:$0x3F9A];
	_ =	swait.ge [sflag:s4], $0x0  }
0x19: {  	s7 =	sld [smem:$0x3F9B]  }
0x1a: {  	s8 =	sadd.s32 $0xFFFFE003, lr  }
0x1b: {  	s9 =	sadd.s32 $0xFFFFFEF7, lr;
	s5 =	simm.s32 $0xFFFFFFFF;
	p2 =	slt.u32 s8, $0xFFFFF086  }
0x1c: {  	p1 =	slt.u32 s9, $0xF7A;
	s5 =	simm.s32 @!p2 $0x0  }
0x1d: {  	s5 =	simm.s32 @p1 $0x1;
	p0 =	seq.s32 s7, s2  }
0x1e: {  	s7 =	smul.u32 @!p0 $0xF7A, s2;
	p2 =	seq.s32 @!p0 s5, $0x0  }
0x1f: {  	s9 =	smul.u32 $0xF7A, s1;
	s8 =	simm.s32 @!p0 $0x1BF5;
	p2 =	por !p2, p0  }
0x20: {  	[sflag:s8] =	ssyncset.s32 @!p0 $0xFFFFF086;
	s6 =	sadd.s32 @!p0 s3, s7;
	s7 =	simm.s32 @!p0 $0x108  }
0x21: {  	s3 =	sadd.s32 s3, s9;
	s6 =	sadd.s32 @!p0 $0x88, s6;
	s7 =	simm.s32 @p2 $0x1082  }
0x22: {  	[simem:s7], [sflag:s8] =	dma.local @!p0 [hbm:s6], $0xF7A  }
0x23: {  	s9 =	sor.u32 $0xD0000000, s2;
	s6 =	simm.s32 $0x108;
	_ =	swait.ge @!p0 [sflag:s8], $0x0  }
0x24: {  	s3 =	sadd.s32 $0x88, s3;
	s6 =	simm.s32 @!p1 $0x1082;
	[sflag:s4] =	ssyncset.s32 $0xFFFFF086  }
0x25: {  	[simem:s6], [sflag:s4] =	dma.local [hbm:s3], $0xF7A  }
0x26: {  	[smem:$0x3F9B] =	sst s1;
	(tag) =	ssettag s2;
	_ =	strace s9  }
0x27: {  	s1 =	sld [smem:$0x3FAB]  }
0x28: {  	s2 =	sld [smem:$0x3FAC]  }
0x29: {  	s4 =	sld [smem:$0x3FAE]  }
0x2a: {  	p0 =	seq.s32 s5, $0x0;
	s5 =	sld [smem:$0x3FAF]  }
0x2b: {  	s6 =	sld [smem:$0x3FB0]  }
0x2c: {  	s7 =	sld [smem:$0x3FB1]  }
0x2d: {  	s3 =	simm.s32 $0x108;
	s8 =	sld [smem:$0x3FB2]  }
0x2e: {  	s3 =	simm.s32 @!p0 $0x1082;
	s9 =	sld [smem:$0x3FB3]  }
0x2f: {  	lr =	sadd.s32 s0, s3;
	s0 =	sld [smem:$0x3FAA]  }
0x30: {  	s3 =	sld [smem:$0x3FAD]  }
0x31: {  	[smem:$0x3FB6] =	sst s10  }
0x32: {  	s10 =	sld [smem:$0x3FB4];
	_ =	sdelay $0x3  }
0x33: {  	p0 =	seq.s32 s10, $0x1;
	s10 =	sld [smem:$0x3FB6];
	_ =	sdelay $0x3  }
0x34: {  	[smem:$0x3FB6] =	sst s10  }
0x35: {  	s10 =	sld [smem:$0x3FB5];
	_ =	sdelay $0x3  }
0x36: {  	p1 =	seq.s32 s10, $0x1;
	s10 =	sld [smem:$0x3FB6];
	_ =	sdelay $0x3  }
0x37: {  	[smem:$0x3FB6] =	sst s10  }
0x38: {  	s10 =	sld [smem:$0x3FB7]  }
0x39: {  	_ = 	snop;
	(pc) =	sbr.ind lr, $3  }
0x3a: {  	_ = 	snop  }
0x3b: {  	_ = 	snop  }
0x3c: {  	p2 =	seq.s32 s10, $0x1;
	s10 =	sld [smem:$0x3FB6]  }
0x3d: {  	_ =	shalt  }
0x3e: {  	_ =	shalt  }
0x3f: {  	_ =	shalt  }
0x40: {  	_ =	shalt  }
0x41: {  	_ =	shalt  }
0x42: {  	_ =	shalt  }
0x43: {  	_ =	shalt  }
0x44: {  	_ =	shalt  }
0x45: {  	_ =	shalt  }
0x46: {  	_ =	shalt  }
0x47: {  	_ =	shalt  }
0x48: {  	_ =	shalt  }
0x49: {  	_ =	shalt  }
0x4a: {  	_ =	shalt  }
0x4b: {  	_ =	shalt  }
0x4c: {  	_ =	shalt  }
0x4d: {  	_ =	shalt  }
0x4e: {  	_ =	shalt  }
0x4f: {  	_ =	shalt  }
0x50: {  	_ =	shalt  }
0x51: {  	_ =	shalt  }
0x52: {  	_ =	shalt  }
0x53: {  	_ =	shalt  }
0x54: {  	_ =	shalt  }
0x55: {  	_ =	shalt  }
0x56: {  	_ =	shalt  }
0x57: {  	_ =	shalt  }
0x58: {  	_ =	shalt  }
0x59: {  	_ =	shalt  }
0x5a: {  	_ =	shalt  }
0x5b: {  	_ =	shalt  }
0x5c: {  	_ =	shalt  }
0x5d: {  	_ =	shalt  }
0x5e: {  	_ =	shalt  }
0x5f: {  	_ =	shalt  }
0x60: {  	_ =	shalt  }
0x61: {  	_ =	shalt  }
0x62: {  	_ =	shalt  }
0x63: {  	_ =	shalt  }
0x64: {  	_ =	shalt  }
0x65: {  	_ =	shalt  }
0x66: {  	_ =	shalt  }
0x67: {  	_ =	shalt  }
0x68: {  	_ =	shalt  }
0x69: {  	_ =	shalt  }
0x6a: {  	_ =	shalt  }
0x6b: {  	_ =	shalt  }
0x6c: {  	_ =	shalt  }
0x6d: {  	_ =	shalt  }
0x6e: {  	_ =	shalt  }
0x6f: {  	_ =	shalt  }
0x70: {  	_ =	shalt  }
0x71: {  	_ =	shalt  }
0x72: {  	_ =	shalt  }
0x73: {  	_ =	shalt  }
0x74: {  	_ =	shalt  }
0x75: {  	_ =	shalt  }
0x76: {  	_ =	shalt  }
0x77: {  	_ =	shalt  }
0x78: {  	_ =	shalt  }
0x79: {  	_ =	shalt  }
0x7a: {  	_ =	shalt  }
0x7b: {  	_ =	shalt  }
0x7c: {  	_ =	shalt  }
0x7d: {  	_ =	shalt  }
0x7e: {  	_ =	shalt  }
0x7f: {  	_ =	shalt  }
0x80: {  	_ =	shalt  }
0x81: {  	_ =	shalt  }
0x82: {  	_ =	shalt  }
0x83: {  	_ =	shalt  }
0x84: {  	_ =	shalt  }
0x85: {  	_ =	shalt  }
0x86: {  	_ =	shalt  }
0x87: {  	_ =	shalt  }
.Lfunc_end0:
.L_simem_size_0:
called_computation_lowered:
.L_overlay_start_0:
0x88: {  	s2 =	sld [smem:$0x3FD9]  }
0x89: {  	s3 =	sld [smem:$0x3FFE];
	_ =	sdelay $0x1  }
0x8a: {  	s1 =	srdreg.scid  }
0x8b: {  	s0 =	sand.u32 $0x1, s1  }
0x8c: {  	s17 =	sshll.u32 s0, $0xA;
	s2 =	sadd.s32 s3, s2  }
0x8d: {  	s2 =	sadd.s32 s2, s17  }
0x8e: {  	[smem:$0x3FC2] =	sst s2  }
0x8f: {  	_ = 	snop  }
0x90: {  	s2 =	sld [smem:$0x3FD0];
	(tm) =	ssettm $0x1  }
0x91: {  	s18 =	sld [smem:$0x3FFB];
	_ =	sdelay $0x3  }
0x92: {  	_ =	strace s18  }
0x93: {  	s3 =	sld [smem:$0x3FFC];
	_ =	sdelay $0x3  }
0x94: {  	_ =	strace s3  }
0x95: {  	s3 =	sld [smem:$0x3FFD];
	_ =	sdelay $0x3  }
0x96: {  	_ =	strace s3  }
0x97: {  	_ =	strace $0x8FFFFFFF  }
0x98: {  	s19 =	sld [smem:$0x3FDB];
	_ =	sdelay $0x1  }
0x99: {  	s4 =	simm.s32 $_scs_section_size  }
0x9a: {  	s5 =	simm.s32 $_size__tile_overlayer_lowered;
	s6 =	simm.s32 $_tile_overlayer_lowered  }
0x9b: {  	s22 =	simm.s32 $0x1BFF;
	s21 =	sshll.u32 s6, $0x1;
	s3 =	sadd.s32 s4, s19  }
0x9c: {  	s7 =	simm.s32 $0x0;
	s20 =	sshll.u32 s5, $0x1;
	s5 =	sadd.s32 s21, s3  }
0x9d: {  	[timem:s7], [sflag:s22] =	dma.local [hbm:s5], s20  }
0x9e: {  	_ =	swait.ge [sflag:s22], s20  }
0x9f: {  	s4 =	ssub.s32 $0x0, s20;
	[sflag:s22] =	ssyncset.done $0x0  }
0xa0: {  	[sflag:s22] =	ssyncadd.s32 s4;
	_ =	sdelay $0x1  }
0xa1: {  	s23 =	simm.s32 $0x1B8B  }
0xa2: {  	_ =	swait.ge [sflag:s23], $0x1  }
0xa3: {  	[sflag:s23] =	ssyncset.done $0x0  }
0xa4: {  	s25 =	simm.s32 $0x1B8E;
	s24 =	sld [smem:$0x3FFE];
	[sflag:s23] =	ssyncadd.s32 $0xFFFFFFFF  }
0xa5: {  	s26 =	simm.s32 $execute0_lowered;
	[smem:$0x3FD2] =	sst s25  }
0xa6: {  	s5 =	sshll.u32 s26, $0x1;
	_ =	strace $0x80000046;
	[dreg:$0x1] =	wrdreg $0xFFFFFFFF  }
0xa7: {  	s28 =	simm.s32 $_size_execute0_lowered;
	s3 =	sadd.s32 s3, s5;
	[dreg:$0x0] =	wrdreg $0x0  }
0xa8: {  	s5 =	sshll.u32 s28, $0x1;
	[dreg:$0x2] =	wrdreg s3  }
0xa9: {  	[dreg:$0x3] =	wrdreg s5  }
0xaa: {  	[dreg:$0x4] =	wrdreg $0xC0  }
0xab: {  	_ =	task [dreg:s7], $0x5FFFF  }
0xac: {  	[dreg:$0x1] =	wrdreg $0xFFFFFFFF  }
0xad: {  	[dreg:$0x0] =	wrdreg $0x60  }
0xae: {  	[dreg:$0x2] =	wrdreg s2  }
0xaf: {  	[dreg:$0x3] =	wrdreg s24  }
0xb0: {  	[dreg:$0x4] =	wrdreg $0x50800  }
0xb1: {  	[dreg:$0x5] =	wrdreg $0x53000  }
0xb2: {  	[dreg:$0x6] =	wrdreg $0x9  }
0xb3: {  	_ =	task.clear_ibuf [dreg:s7], $0x7FFFF;
	_ =	strace $0x90000046  }
0xb4: {  	s29 =	simm.s32 $0x9;
	_ =	strace $0x80000048  }
0xb5: {  	_ =	swait.ge [sflag:s29], $0x1  }
0xb6: {  	[sflag:s29] =	ssyncadd.s32 $0xFFFFFFFF  }
0xb7: {  	_ =	strace $0x90000048  }
0xb8: {  	_ =	sfence  }
0xb9: {  	s30 =	sld [smem:$0x0];
	_ =	sdelay $0x2  }
0xba: {  	s31 =	sshll.u32 s1, $0xD;
	s1 =	sshrl.u32 s1, $0x2  }
0xbb: {  	s3 =	sand.u32 $0x4000, s31;
	s1 =	sadd.s32 s1, s30  }
0xbc: {  	s0 =	sor.u32 s3, s0;
	s1 =	sshll.u32 s1, $0x11  }
0xbd: {  	s0 =	sor.u32 s1, s0  }
0xbe: {  	s0 =	sadd.s32 $0x8F2B, s0  }
0xbf: {  	[sflag:s0] =	ssyncadd.remote.s32 $0x1  }
0xc0: {  	_ =	sfence.sel $0xFFFF  }
0xc1: {  	[dreg:$0x0] =	wrdreg $0xFFFFFFFF;
	(pc) =	sbr.abs _section_cstart, $3  }
0xc2: {  	[dreg:$0x1] =	wrdreg $0xFFFFFFFF  }
0xc3: {  	_ =	task.clear_ibuf [dreg:s7], $0x2FFFF;
	_ =	strace $0x9FFFFFFF  }
0xc4: {  	(tm) =	ssettm $0x7FFFFFFF  }
0xc5: {  	_ =	shalt  }
tec
execute0_lowered:
.L_overlay_start_1:
0x0: {  	(tag) =	ssettag $0x1  }
0x1: {  	s7 =	rddreg [dreg:$0x0]  }
0x2: {  	s6 =	rddreg [dreg:$0x1]  }
0x3: {  	s1 =	srdreg.scid;
	s2 =	rddreg [dreg:$0x2]  }
0x4: {  	s0 =	stileid.u32;
	s3 =	rddreg [dreg:$0x3]  }
0x5: {  	s4 =	simm.s32 $0x0;
	s16 =	simm.s32 $0x80;
	s17 =	simm.s32 $0x5000  }
0x6: {  	s18 =	simm.s32 $0x0;
	s5 =	sand.u32 $0x1, s1;
	s29 =	sshll.u32 s0, $0x1  }
0x7: {  	s9 =	smul.u32 $0x280, s0;
	[smem:$0x7FF] =	sst s4;
	s31 =	sshll.u32 s0, $0x6  }
0x8: {  	s1 =	sor.u32 s5, s29;
	s10 =	smul.u32 $0x2800, s5;
	s5 =	ssub.s32 $0x2, s5  }
0x9: {  	s8 =	smul.u32 $0x500, s1;
	s1 =	rddreg [dreg:$0x4];
	_ =	strace $0x80000047  }
0xa: {  	s12 =	sshrl.u32 s9, $0x3;
	s30 =	sshrl.u32 s5, $0x1;
	s14 =	sadd.s32 s9, s2  }
0xb: {  	s15 =	sadd.s32 s9, s3;
	s10 =	sadd.s32 s9, s10;
	s12 =	sadd.s32 s12, s6  }
0xc: {  	s13 =	ssub.s32 s5, s30;
	s11 =	sadd.s32 s8, s6;
	s10 =	sshrl.u32 s10, $0x3  }
0xd: {  	s5 =	sadd.s32 $0xBE00, s12;
	s7 =	sadd.s32 s7, s8;
	s12 =	sshrl.u32 s14, $0x3  }
0xe: {  	s14 =	sshrl.u32 s15, $0x3;
	s15 =	simm.s32 $0x2800;
	s10 =	sadd.s32 s10, s6  }
0xf: {  	s6 =	sor.u32 $0x1C01, s31;
	s8 =	sadd.s32 $0x1E00, s11;
	s11 =	smax.u32 s13, $0x1  }
0x10: {  	v0 =	vimm.f32 $1.000000000e+00;
	s13 =	simm.s32 $0x1;
	s9 =	sadd.s32 $0xCE00, s10;
	s10 =	sadd.s32 $0xC400, s10  }
.LBB2_1:
0x11: {  	[spmem:s12], [sflag:s6] =	dma.local [hbm:s5], $0x50  }
0x12: {  	_ =	swait.ge [sflag:s13], $0x50  }
0x13: {  	[sflag:s13] =	ssyncset.done $0x0  }
0x14: {  	[sflag:s13] =	ssyncadd.s32 $0xFFFFFFB0  }
0x15: {  	[spmem:s14], [sflag:s6] =	dma.local [hbm:s5], $0x50  }
0x16: {  	_ =	swait.ge [sflag:s13], $0x50  }
0x17: {  	[sflag:s13] =	ssyncset.done $0x0  }
0x18: {  	[sflag:s13] =	ssyncadd.s32 $0xFFFFFFB0  }
0x19: {  	[tilespmem:s4], [sflag:$0x1] =	stream.linear.gather [hbm4b:s7+s4], $0x2800, $0x38;
	[tilespmem:$0x5580] =	vst v63  }
0x1a: {  	_ =	swait.ge [sflag:s13], $0x2800  }
0x1b: {  	[sflag:s13] =	ssyncset.done $0x0  }
0x1c: {  	[sflag:s13] =	ssyncadd.s32 $0xFFFFD800  }
0x1d: {  	[tilespmem:s15], [sflag:$0x1] =	stream.linear.gather [hbm4b:s8+s4], $0x2800, $0x38;
	[tilespmem:$0x5580] =	vst v63  }
0x1e: {  	_ =	swait.ge [sflag:s13], $0x2800  }
0x1f: {  	[sflag:s13] =	ssyncset.done $0x0  }
0x20: {  	[sflag:s13] =	ssyncadd.s32 $0xFFFFD800  }
0x21: {  	[tilespmem:$0x5000] =	vst v0  }
0x22: {  	[tilespmem:$0x5010] =	vst v0  }
0x23: {  	[tilespmem:$0x5020] =	vst v0  }
0x24: {  	[tilespmem:$0x5030] =	vst v0  }
0x25: {  	[tilespmem:$0x5040] =	vst v0  }
0x26: {  	[tilespmem:$0x5050] =	vst v0  }
0x27: {  	[tilespmem:$0x5060] =	vst v0  }
0x28: {  	[tilespmem:$0x5070] =	vst v0  }
0x29: {  	s19 =	simm.s32 $0x0;
	[bflag:$0x0] =	sbarrier.arrive $0xFFFF  }
0x2a: {  	[spmem:s2] =	stream.indirect.scatter.add.f32 [tilespmem:s17], [sflag:$0x1], $0x1, s19, s16, $0xb8;
	[tilespmem:$0x5580] =	vst v63  }
0x2b: {  	_ =	swait.ge [sflag:s13], $0x80  }
0x2c: {  	[sflag:s13] =	ssyncset.done $0x0  }
0x2d: {  	s31 =	simm.s32 $0x2800;
	[sflag:s13] =	ssyncadd.s32 $0xFFFFFF80  }
0x2e: {  	[spmem:s3] =	stream.indirect.scatter.add.f32 [tilespmem:s17], [sflag:$0x1], $0x1, s31, s16, $0xb8;
	[tilespmem:$0x5580] =	vst v63  }
0x2f: {  	_ =	swait.ge [sflag:s13], $0x80  }
0x30: {  	s20 =	simm.s32 $0x400;
	s19 =	simm.s32 $0x200;
	[sflag:s13] =	ssyncset.done $0x0  }
.LBB2_2:
0x31: {  	s21 =	sshra.s32 s19, $0x2  }
0x32: {  	[sflag:s13] =	ssyncadd.s32 $0xFFFFFF80;
	s19 =	smov.u32 s20;
	s22 =	sadd.s32 $0x200, s20  }
0x33: {  	[spmem:s2] =	stream.indirect.scatter.add.f32 [tilespmem:s17], [sflag:$0x1], $0x1, s21, s16, $0xb8;
	[tilespmem:$0x5580] =	vst v63  }
0x34: {  	p0 =	sne.s32 s20, $0x9E00;
	_ =	swait.ge [sflag:s13], $0x80  }
.Ltmp0:
0x35: {  	[sflag:s13] =	ssyncset.done $0x0;
	(pc) =	sbr.rel @p0 .LBB2_2-.Ltmp0, $4  }
0x36: {  	s20 =	sadd.s32 $0x2800, s21;
	[sflag:s13] =	ssyncadd.s32 $0xFFFFFF80  }
0x37: {  	[spmem:s3] =	stream.indirect.scatter.add.f32 [tilespmem:s17], [sflag:$0x1], $0x1, s20, s16, $0xb8;
	[tilespmem:$0x5580] =	vst v63  }
0x38: {  	_ =	swait.ge [sflag:s13], $0x80  }
0x39: {  	s20 =	smov.u32 s22;
	[sflag:s13] =	ssyncset.done $0x0  }
0x3a: {  	s19 =	sshra.s32 s19, $0x2;
	[sflag:s13] =	ssyncadd.s32 $0xFFFFFF80  }
0x3b: {  	[spmem:s2] =	stream.indirect.scatter.add.f32 [tilespmem:s17], [sflag:$0x1], $0x1, s19, s16, $0xb8;
	[tilespmem:$0x5580] =	vst v63  }
0x3c: {  	_ =	swait.ge [sflag:s13], $0x80  }
0x3d: {  	[sflag:s13] =	ssyncset.done $0x0  }
0x3e: {  	s19 =	sadd.s32 $0x2800, s19;
	[sflag:s13] =	ssyncadd.s32 $0xFFFFFF80  }
0x3f: {  	[spmem:s3] =	stream.indirect.scatter.add.f32 [tilespmem:s17], [sflag:$0x1], $0x1, s19, s16, $0xb8;
	[tilespmem:$0x5580] =	vst v63  }
0x40: {  	_ =	swait.ge [sflag:s13], $0x80  }
0x41: {  	[sflag:s13] =	ssyncset.done $0x0  }
0x42: {  	[sflag:s13] =	ssyncadd.s32 $0xFFFFFF80  }
0x43: {  	[bflag:$0x0] =	sbarrier.arrive $0xFFFF  }
0x44: {  	[hbm:s9], [sflag:s6] =	dma.local [spmem:s12], $0x50  }
0x45: {  	s18 =	sadd.s32 $0x1, s18;
	_ =	swait.ge [sflag:s13], $0x50  }
0x46: {  	p0 =	sne.s32 s18, s11;
	[sflag:s13] =	ssyncset.done $0x0  }
.Ltmp1:
0x47: {  	[sflag:s13] =	ssyncadd.s32 $0xFFFFFFB0;
	(pc) =	sbr.rel @p0 .LBB2_1-.Ltmp1, $4  }
0x48: {  	[hbm:s10], [sflag:s6] =	dma.local [spmem:s14], $0x50  }
0x49: {  	_ =	swait.ge [sflag:s13], $0x50  }
0x4a: {  	[sflag:s13] =	ssyncset.done $0x0  }
0x4b: {  	[sflag:s13] =	ssyncadd.s32 $0xFFFFFFB0  }
0x4c: {  	_ =	sfence.sel $0x180000  }
0x4d: {  	[bflag:$0x0] =	sbarrier.arrive $0xFFFF  }
0x4e: {  	p0 =	sne.s32 s0, $0x0;
	_ =	strace $0x90000047  }
0x4f: {  	s0 =	sadd.s32 @!p0 $0x100000, s1;
	[bflag:$0x2] =	sbarrier.arrive $0xFFFF  }
0x50: {  	[sflag:s0] =	ssyncadd.tile.s32 @!p0 $0x1;
	_ =	shalt  }
.Lfunc_end2:
_tile_overlayer_lowered:
.L_overlay_start_2:
0x51: {  	(tag) =	ssettag $0x2  }
0x52: {  	s0 =	rddreg [dreg:$0x0];
	s2 =	stileid.u32  }
0x53: {  	s1 =	rddreg [dreg:$0x1];
	p0 =	sne.s32 s2, $0x0  }
0x54: {  	s3 =	rddreg [dreg:$0x2];
	[bflag:$0x3] =	sbarrier.arrive $0xFFFF;
	s2 =	simm.s32 @!p0 $0x1C01  }
0x55: {  	[timem:s3], [sflag:s2] =	dma.local @!p0 [hbm:s0], s1  }
0x56: {  	s0 =	simm.s32 @!p0 $0x1  }
0x57: {  	_ =	swait.ge @!p0 [sflag:s0], s1  }
0x58: {  	s1 =	ssub.s32 @!p0 $0x0, s1;
	[sflag:s0] =	ssyncset.done @!p0 $0x0  }
0x59: {  	[sflag:s0] =	ssyncadd.s32 @!p0 s1  }
0x5a: {  	[bflag:$0x3] =	sbarrier.arrive $0xFFFF  }
0x5b: {  	_ =	shalt  }

</sc_bundles>
